<compile_context>
chip_gen: v7x
topology: tpu7x:2x2x1
jax: 0.10.2.dev20260603
libtpu: 0.0.44.dev20260713+nightly
codegen_flags: <defaults>
</compile_context>

<pallas_src>
import functools

import jax
import jax.numpy as jnp
from jax import lax
from jax.experimental import pallas as pl
from jax.experimental.pallas import tpu as pltpu
from jax.experimental.pallas import tpu_sc as plsc

N_CORES = 2
N_SUBCORES = 16
N_TILES = N_CORES * N_SUBCORES
CHUNK = 128
GRAN = 128
PBUF = 2
WBODY = 8
EPS = 1e-5


def _sc_mesh():
    return plsc.VectorSubcoreMesh(core_axis_name="c", subcore_axis_name="s")


def _deg_call(npad, nchunk):
    rps = npad // N_SUBCORES

    @functools.partial(
        pl.kernel,
        out_type=jax.ShapeDtypeStruct((N_CORES, npad, GRAN), jnp.float32),
        mesh=_sc_mesh(),
        scratch_types=[
            pltpu.VMEM((nchunk, CHUNK), jnp.int32),
            pltpu.VMEM((CHUNK, GRAN), jnp.float32),
            pltpu.VMEM_SHARED((npad, GRAN), jnp.float32),
            pltpu.SemaphoreType.DMA,
        ],
    )
    def deg_kernel(dst_hbm, ones_hbm, zeros_hbm, out_hbm, idx_v, ones_v, acc,
                   sem):
        c = lax.axis_index("c")
        s = lax.axis_index("s")
        wid = c * N_SUBCORES + s
        pltpu.sync_copy(zeros_hbm.at[pl.ds(s * rps, rps)],
                        acc.at[pl.ds(s * rps, rps)])
        pltpu.sync_copy(ones_hbm, ones_v)
        pltpu.sync_copy(dst_hbm.at[wid], idx_v)
        plsc.subcore_barrier()

        @pl.loop(0, nchunk)
        def _(j):
            pltpu.async_copy(ones_v, acc.at[idx_v.at[j]], sem, add=True)

        @pl.loop(0, nchunk)
        def _(j):
            pltpu.make_async_copy(ones_hbm, ones_v, sem).wait()

        plsc.subcore_barrier()
        pltpu.sync_copy(acc.at[pl.ds(s * rps, rps)],
                        out_hbm.at[c, pl.ds(s * rps, rps)])

    return deg_kernel


def _msg_call(n, d, npad, nchunk):
    rps = npad // N_SUBCORES

    @functools.partial(
        pl.kernel,
        out_type=jax.ShapeDtypeStruct((N_CORES, npad, d), jnp.float32),
        mesh=_sc_mesh(),
        scratch_types=[
            pltpu.VMEM((nchunk, CHUNK), jnp.int32),
            pltpu.VMEM((WBODY, CHUNK), jnp.int32),
            pltpu.VMEM((PBUF, CHUNK, d), jnp.float32),
            pltpu.VMEM_SHARED((npad, d), jnp.float32),
            pltpu.SemaphoreType.DMA,
            pltpu.SemaphoreType.DMA,
            pltpu.SemaphoreType.DMA,
        ],
    )
    def msg_kernel(hp_hbm, src_hbm, dst_hbm, zeros_hbm, out_hbm,
                   src_v, dwin, bufs, acc, gsem, ssem, dsem):
        c = lax.axis_index("c")
        s = lax.axis_index("s")
        wid = c * N_SUBCORES + s
        pltpu.sync_copy(zeros_hbm.at[pl.ds(s * rps, rps)],
                        acc.at[pl.ds(s * rps, rps)])
        pltpu.sync_copy(src_hbm.at[wid], src_v)
        plsc.subcore_barrier()

        nfull = (nchunk // WBODY) * WBODY

        @pl.loop(0, nfull, step=WBODY)
        def _(j0):
            dw = pltpu.async_copy(
                dst_hbm.at[wid, pl.ds(j0, WBODY)], dwin, dsem)
            gs = [pltpu.async_copy(hp_hbm.at[src_v.at[j0]], bufs.at[0],
                                   gsem)]
            ss = []
            for b in range(WBODY):
                gs[b].wait()
                if b >= 1:
                    ss[b - 1].wait()
                if b + 1 < WBODY:
                    gs.append(pltpu.async_copy(
                        hp_hbm.at[src_v.at[j0 + b + 1]],
                        bufs.at[(b + 1) % PBUF], gsem))
                if b == 0:
                    dw.wait()
                ss.append(pltpu.async_copy(
                    bufs.at[b % PBUF], acc.at[dwin.at[b]], ssem, add=True))
            ss[WBODY - 1].wait()

        ntail = nchunk - nfull
        if ntail:
            pltpu.sync_copy(dst_hbm.at[wid, pl.ds(nfull, ntail)],
                            dwin.at[pl.ds(0, ntail)])
        for j in range(nfull, nchunk):
            b = j - nfull
            pltpu.async_copy(hp_hbm.at[src_v.at[j]],
                             bufs.at[b % PBUF], gsem).wait()
            pltpu.async_copy(bufs.at[b % PBUF], acc.at[dwin.at[b]],
                             ssem, add=True).wait()

        plsc.subcore_barrier()
        pltpu.sync_copy(acc.at[pl.ds(s * rps, rps)],
                        out_hbm.at[c, pl.ds(s * rps, rps)])

    return msg_kernel


def _matmul_call(n, d):
    def body(x_ref, w_ref, o_ref):
        o_ref[...] = lax.dot_general(
            x_ref[...], w_ref[...], (((1,), (1,)), ((), ())),
            preferred_element_type=jnp.float32)

    return pl.pallas_call(
        body, out_shape=jax.ShapeDtypeStruct((n, d), jnp.float32))


def _scale_call(n, d, npad):
    def body(dp_ref, h_ref, o_ref):
        deg = dp_ref[0, :n, 0:1] + dp_ref[1, :n, 0:1] + 1.0
        o_ref[...] = h_ref[...] * lax.rsqrt(deg)

    return pl.pallas_call(
        body, out_shape=jax.ShapeDtypeStruct((n, d), jnp.float32))


def _epilogue_call(n, d, npad):
    def body(mp_ref, dp_ref, hp_ref, x_ref, b_ref, g_ref, be_ref, o_ref):
        deg = dp_ref[0, :n, 0:1] + dp_ref[1, :n, 0:1] + 1.0
        dis = lax.rsqrt(deg)
        s = (mp_ref[0, :n, :] + mp_ref[1, :n, :] + hp_ref[...]) * dis
        s = s + b_ref[...]
        mean = jnp.mean(s, axis=0, keepdims=True)
        var = jnp.mean((s - mean) ** 2, axis=0, keepdims=True)
        y = (s - mean) * lax.rsqrt(var + EPS) * g_ref[...] + be_ref[...]
        o_ref[...] = jnp.maximum(y, 0.0) + x_ref[...]

    return pl.pallas_call(
        body, out_shape=jax.ShapeDtypeStruct((n, d), jnp.float32))


@jax.jit
def kernel(x, edge_index, W, b, gamma, beta):
    n, d = x.shape
    e = edge_index.shape[1]

    npad = ((n + 1 + 127) // 128) * 128
    grain = N_TILES * CHUNK
    nchunk = (e + grain - 1) // grain
    pad = nchunk * CHUNK * N_TILES - e

    src = jnp.concatenate(
        [edge_index[0], jnp.zeros((pad,), edge_index.dtype)])
    dst = jnp.concatenate(
        [edge_index[1], jnp.full((pad,), n, edge_index.dtype)])
    src3 = src.reshape(N_TILES, nchunk, CHUNK)
    dst3 = dst.reshape(N_TILES, nchunk, CHUNK)

    ones_g = jnp.ones((CHUNK, GRAN), jnp.float32)
    zeros_g = jnp.zeros((npad, GRAN), jnp.float32)
    zeros_d = jnp.zeros((npad, d), jnp.float32)

    degp = _deg_call(npad, nchunk)(dst3, ones_g, zeros_g)
    h = _matmul_call(n, d)(x, W)
    hp = _scale_call(n, d, npad)(degp, h)
    mp = _msg_call(n, d, npad, nchunk)(hp, src3, dst3, zeros_d)
    return _epilogue_call(n, d, npad)(
        mp, degp, hp, x,
        b.reshape(1, d), gamma.reshape(1, d), beta.reshape(1, d))

# --- scband reference (transcript-rebuilt; emitter-appended) ---
"""Pipeline reference for scband-graph-conv-block-23141283791389 (READ-ONLY COPY).

The authoritative reference and input builder live on the scoring server;
editing this copy changes nothing except your own understanding.
"""

import jax, jax.numpy as jnp
import numpy as np

N = 10000
E = 320000
D = 128
EPS = 1e-5


def setup_inputs(seed: int = 0) -> dict:
    key = jax.random.key(seed)
    k1, k2, k3 = jax.random.split(key, 3)
    x = jax.random.normal(k1, (N, D), dtype=jnp.float32)
    edge_index = jax.random.randint(k2, (2, E), 0, N, dtype=jnp.int32)
    # GCNConv linear weight (PyG stores as [out_channels, in_channels]) and bias
    W = jax.random.normal(k3, (D, D), dtype=jnp.float32) * (1.0 / np.sqrt(D))
    b = jnp.zeros((D,), dtype=jnp.float32)
    # BatchNorm1d affine parameters
    gamma = jnp.ones((D,), dtype=jnp.float32)
    beta = jnp.zeros((D,), dtype=jnp.float32)
    return {"x": x, "edge_index": edge_index, "W": W, "b": b, "gamma": gamma, "beta": beta}


def _gcn_conv(x, edge_index, W, b):
    n = x.shape[0]
    # add self loops (PyG GCNConv default add_self_loops=True)
    loop = jnp.arange(n, dtype=edge_index.dtype)
    src = jnp.concatenate([edge_index[0], loop])
    dst = jnp.concatenate([edge_index[1], loop])
    # linear transform
    h = x @ W.T
    # symmetric normalization: deg computed on dst with unit edge weights
    deg = jnp.zeros((n,), dtype=h.dtype).at[dst].add(1.0)
    deg_inv_sqrt = jnp.where(deg > 0, deg ** -0.5, 0.0)
    norm = deg_inv_sqrt[src] * deg_inv_sqrt[dst]
    # gather messages from src, scale, scatter-add to dst
    msg = h[src] * norm[:, None]
    out = jnp.zeros_like(h).at[dst].add(msg)
    return out + b


def _batch_norm(h, gamma, beta):
    mean = jnp.mean(h, axis=0)
    var = jnp.var(h, axis=0)  # biased variance, matches torch BN forward
    return (h - mean) / jnp.sqrt(var + EPS) * gamma + beta


def reference(x, edge_index, W, b, gamma, beta):
    identity = x
    h = _gcn_conv(x, edge_index, W, b)
    h = _batch_norm(h, gamma, beta)
    h = jax.nn.relu(h)
    # dropout acts as identity in deterministic (eval) reference
    h = h + identity  # residual: in_channels == out_channels
    return h

if __name__ == "__main__":
    import jax
    _d = setup_inputs()
    print(jax.jit(kernel)(*tuple(_d.values())))

</pallas_src>

<mosaic_0001>
#map = affine_map<(d0, d1) -> (0, 0)>
#map1 = affine_map<(d0, d1) -> (0, 0, 0)>
module attributes {stable_mosaic.version = 14 : i64} {
  func.func @msg_kernel(%arg0: i32, %arg1: i32, %arg2: memref<10000x128xf32, #tpu.memory_space<hbm>>, %arg3: memref<32x79x128xi32, #tpu.memory_space<hbm>>, %arg4: memref<32x79x128xi32, #tpu.memory_space<hbm>>, %arg5: memref<10112x128xf32, #tpu.memory_space<hbm>>, %arg6: memref<2x10112x128xf32, #tpu.memory_space<hbm>>, %arg7: memref<79x128xi32, #tpu.memory_space<vmem>>, %arg8: memref<8x128xi32, #tpu.memory_space<vmem>>, %arg9: memref<2x128x128xf32, #tpu.memory_space<vmem>>, %arg10: memref<10112x128xf32, #tpu.memory_space<vmem_shared>>, %arg11: memref<!tpu.dma_semaphore, #tpu.memory_space<semaphore_mem>>, %arg12: memref<!tpu.dma_semaphore, #tpu.memory_space<semaphore_mem>>, %arg13: memref<!tpu.dma_semaphore, #tpu.memory_space<semaphore_mem>>) attributes {dimension_semantics = [#tpu.dimension_semantics<core_parallel>, #tpu.dimension_semantics<subcore_parallel>], iteration_bounds = array<i64: 2, 16>, scalar_prefetch = 0 : i64, scratch_operands = 7 : i64, tpu.core_type = #tpu.core_type<sc_vector_subcore>, window_params = [{transform_indices = #map}, {transform_indices = #map1}, {transform_indices = #map1}, {transform_indices = #map}, {transform_indices = #map1}]} {
    %mul3A = arith.constant 16 : i32
    %mul3A_0 = arith.muli %arg0, %mul3A : i32
    %add3A = arith.addi %mul3A_0, %arg1 : i32
    %mul3A_1 = arith.constant 632 : i32
    %mul3A_2 = arith.muli %arg1, %mul3A_1 : i32
    %mul3A_3 = arith.constant 632 : i32
    %mul3A_4 = arith.muli %arg1, %mul3A_3 : i32
    "tpu.region"() ({
      %run_scoped3A = tpu.sem_alloc : memref<!tpu.dma_semaphore, #tpu.memory_space<semaphore_mem>>
      %dma_start3A_348 = arith.constant 0 : i32
      %dma_start3A_349 = tpu.memref_slice %arg10[%mul3A_4, %dma_start3A_348] : memref<10112x128xf32, #tpu.memory_space<vmem_shared>> -> memref<632x128xf32, #tpu.memory_space<vmem_shared>>
      %dma_start3A_350 = arith.constant 0 : i32
      %dma_start3A_351 = tpu.memref_slice %arg5[%mul3A_2, %dma_start3A_350] : memref<10112x128xf32, #tpu.memory_space<hbm>> -> memref<632x128xf32, #tpu.memory_space<hbm>>
      tpu.enqueue_dma source(%dma_start3A_351 : memref<632x128xf32, #tpu.memory_space<hbm>>) target(%dma_start3A_349 : memref<632x128xf32, #tpu.memory_space<vmem_shared>>) target_semaphore(%run_scoped3A : memref<!tpu.dma_semaphore, #tpu.memory_space<semaphore_mem>>)
      %dma_wait3A_352 = arith.constant 0 : i32
      %dma_wait3A_353 = tpu.memref_slice %arg10[%mul3A_4, %dma_wait3A_352] : memref<10112x128xf32, #tpu.memory_space<vmem_shared>> -> memref<632x128xf32, #tpu.memory_space<vmem_shared>>
      %dma_wait3A_354 = arith.constant 0 : i32
      %dma_wait3A_355 = tpu.memref_slice %arg5[%mul3A_2, %dma_wait3A_354] : memref<10112x128xf32, #tpu.memory_space<hbm>> -> memref<632x128xf32, #tpu.memory_space<hbm>>
      tpu.wait_dma2 semaphore(%run_scoped3A : memref<!tpu.dma_semaphore, #tpu.memory_space<semaphore_mem>>) src(%dma_wait3A_355 : memref<632x128xf32, #tpu.memory_space<hbm>>) dst(%dma_wait3A_353 : memref<632x128xf32, #tpu.memory_space<vmem_shared>>)
      tpu.yield
    }) : () -> ()
    "tpu.region"() ({
      %run_scoped3A = tpu.sem_alloc : memref<!tpu.dma_semaphore, #tpu.memory_space<semaphore_mem>>
      %dma_start3A_348 = arith.constant 0 : i32
      %dma_start3A_349 = arith.constant 0 : i32
      %dma_start3A_350 = tpu.memref_slice %arg3[%add3A, %dma_start3A_348, %dma_start3A_349] : memref<32x79x128xi32, #tpu.memory_space<hbm>> -> memref<1x79x128xi32, #tpu.memory_space<hbm>>
      %dma_start3A_351 = tpu.memref_squeeze %dma_start3A_350 : memref<1x79x128xi32, #tpu.memory_space<hbm>> -> memref<79x128xi32, #tpu.memory_space<hbm>>
      %dma_start3A_352 = arith.constant 0 : i32
      %dma_start3A_353 = arith.constant 0 : i32
      %dma_start3A_354 = tpu.memref_slice %arg3[%add3A, %dma_start3A_352, %dma_start3A_353] : memref<32x79x128xi32, #tpu.memory_space<hbm>> -> memref<1x79x128xi32, #tpu.memory_space<hbm>>
      %dma_start3A_355 = tpu.memref_squeeze %dma_start3A_354 : memref<1x79x128xi32, #tpu.memory_space<hbm>> -> memref<79x128xi32, #tpu.memory_space<hbm>>
      tpu.enqueue_dma source(%dma_start3A_355 : memref<79x128xi32, #tpu.memory_space<hbm>>) target(%arg7 : memref<79x128xi32, #tpu.memory_space<vmem>>) target_semaphore(%run_scoped3A : memref<!tpu.dma_semaphore, #tpu.memory_space<semaphore_mem>>)
      %dma_wait3A_356 = arith.constant 0 : i32
      %dma_wait3A_357 = arith.constant 0 : i32
      %dma_wait3A_358 = tpu.memref_slice %arg3[%add3A, %dma_wait3A_356, %dma_wait3A_357] : memref<32x79x128xi32, #tpu.memory_space<hbm>> -> memref<1x79x128xi32, #tpu.memory_space<hbm>>
      %dma_wait3A_359 = tpu.memref_squeeze %dma_wait3A_358 : memref<1x79x128xi32, #tpu.memory_space<hbm>> -> memref<79x128xi32, #tpu.memory_space<hbm>>
      %dma_wait3A_360 = arith.constant 0 : i32
      %dma_wait3A_361 = arith.constant 0 : i32
      %dma_wait3A_362 = tpu.memref_slice %arg3[%add3A, %dma_wait3A_360, %dma_wait3A_361] : memref<32x79x128xi32, #tpu.memory_space<hbm>> -> memref<1x79x128xi32, #tpu.memory_space<hbm>>
      %dma_wait3A_363 = tpu.memref_squeeze %dma_wait3A_362 : memref<1x79x128xi32, #tpu.memory_space<hbm>> -> memref<79x128xi32, #tpu.memory_space<hbm>>
      tpu.wait_dma2 semaphore(%run_scoped3A : memref<!tpu.dma_semaphore, #tpu.memory_space<semaphore_mem>>) src(%dma_wait3A_363 : memref<79x128xi32, #tpu.memory_space<hbm>>) dst(%arg7 : memref<79x128xi32, #tpu.memory_space<vmem>>)
      tpu.yield
    }) : () -> ()
    %barrier3A = arith.constant 0 : index
    tpu.barrier barrier_id(%barrier3A)
    %scan3A = arith.constant 0 : i32
    %scan3A_5 = arith.constant 9 : i32
    %scan3A_6 = arith.addi %scan3A, %scan3A_5 : i32
    %scan3A_7 = arith.constant 1 : i32
    scf.for %scan3A_348 = %scan3A to %scan3A_6 step %scan3A_7  : i32 {
      %mul3A_349 = arith.constant 8 : i32
      %mul3A_350 = arith.muli %scan3A_348, %mul3A_349 : i32
      %add3A_351 = arith.constant 0 : i32
      %add3A_352 = arith.addi %add3A_351, %mul3A_350 : i32
      %dma_start3A_353 = arith.constant 0 : i32
      %dma_start3A_354 = tpu.memref_slice %arg4[%add3A, %add3A_352, %dma_start3A_353] : memref<32x79x128xi32, #tpu.memory_space<hbm>> -> memref<1x8x128xi32, #tpu.memory_space<hbm>>
      %dma_start3A_355 = tpu.memref_squeeze %dma_start3A_354 : memref<1x8x128xi32, #tpu.memory_space<hbm>> -> memref<8x128xi32, #tpu.memory_space<hbm>>
      %dma_start3A_356 = arith.constant 0 : i32
      %dma_start3A_357 = tpu.memref_slice %arg4[%add3A, %add3A_352, %dma_start3A_356] : memref<32x79x128xi32, #tpu.memory_space<hbm>> -> memref<1x8x128xi32, #tpu.memory_space<hbm>>
      %dma_start3A_358 = tpu.memref_squeeze %dma_start3A_357 : memref<1x8x128xi32, #tpu.memory_space<hbm>> -> memref<8x128xi32, #tpu.memory_space<hbm>>
      tpu.enqueue_dma source(%dma_start3A_358 : memref<8x128xi32, #tpu.memory_space<hbm>>) target(%arg8 : memref<8x128xi32, #tpu.memory_space<vmem>>) target_semaphore(%arg13 : memref<!tpu.dma_semaphore, #tpu.memory_space<semaphore_mem>>)
      %dma_start3A_359 = arith.constant 0 : i32
      %dma_start3A_360 = arith.constant 0 : i32
      %dma_start3A_361 = arith.constant 0 : i32
      %dma_start3A_362 = tpu.memref_slice %arg9[%dma_start3A_359, %dma_start3A_360, %dma_start3A_361] : memref<2x128x128xf32, #tpu.memory_space<vmem>> -> memref<1x128x128xf32, #tpu.memory_space<vmem>>
      %dma_start3A_363 = tpu.memref_squeeze %dma_start3A_362 : memref<1x128x128xf32, #tpu.memory_space<vmem>> -> memref<128x128xf32, #tpu.memory_space<vmem>>
      %dma_start3A_364 = arith.constant 0 : i32
      %dma_start3A_365 = tpu.memref_slice %arg7[%add3A_352, %dma_start3A_364] : memref<79x128xi32, #tpu.memory_space<vmem>> -> memref<1x128xi32, #tpu.memory_space<vmem>>
      %dma_start3A_366 = tpu.memref_squeeze %dma_start3A_365 : memref<1x128xi32, #tpu.memory_space<vmem>> -> memref<128xi32, #tpu.memory_space<vmem>>
      %dma_start3A_367 = arith.constant 0 : i32
      %dma_start3A_368 = arith.constant 0 : i32
      %dma_start3A_369 = tpu.memref_slice %arg2[%dma_start3A_367, %dma_start3A_368] : memref<10000x128xf32, #tpu.memory_space<hbm>> -> memref<10000x128xf32, #tpu.memory_space<hbm>>
      tpu.enqueue_indirect_dma source(%dma_start3A_369 : memref<10000x128xf32, #tpu.memory_space<hbm>>) target(%dma_start3A_363 : memref<128x128xf32, #tpu.memory_space<vmem>>) offsets(%dma_start3A_366 : memref<128xi32, #tpu.memory_space<vmem>>) semaphore(%arg11 : memref<!tpu.dma_semaphore, #tpu.memory_space<semaphore_mem>>)
      %dma_wait3A_370 = arith.constant 0 : i32
      %dma_wait3A_371 = arith.constant 0 : i32
      %dma_wait3A_372 = arith.constant 0 : i32
      %dma_wait3A_373 = tpu.memref_slice %arg9[%dma_wait3A_370, %dma_wait3A_371, %dma_wait3A_372] : memref<2x128x128xf32, #tpu.memory_space<vmem>> -> memref<1x128x128xf32, #tpu.memory_space<vmem>>
      %dma_wait3A_374 = tpu.memref_squeeze %dma_wait3A_373 : memref<1x128x128xf32, #tpu.memory_space<vmem>> -> memref<128x128xf32, #tpu.memory_space<vmem>>
      %dma_wait3A_375 = arith.constant 0 : i32
      %dma_wait3A_376 = tpu.memref_slice %arg7[%add3A_352, %dma_wait3A_375] : memref<79x128xi32, #tpu.memory_space<vmem>> -> memref<1x128xi32, #tpu.memory_space<vmem>>
      %dma_wait3A_377 = tpu.memref_squeeze %dma_wait3A_376 : memref<1x128xi32, #tpu.memory_space<vmem>> -> memref<128xi32, #tpu.memory_space<vmem>>
      %dma_wait3A_378 = arith.constant 0 : i32
      %dma_wait3A_379 = arith.constant 0 : i32
      %dma_wait3A_380 = tpu.memref_slice %arg2[%dma_wait3A_378, %dma_wait3A_379] : memref<10000x128xf32, #tpu.memory_space<hbm>> -> memref<10000x128xf32, #tpu.memory_space<hbm>>
      tpu.wait_indirect_dma semaphore(%arg11 : memref<!tpu.dma_semaphore, #tpu.memory_space<semaphore_mem>>) src(%dma_wait3A_380 : memref<10000x128xf32, #tpu.memory_space<hbm>>) dst(%dma_wait3A_374 : memref<128x128xf32, #tpu.memory_space<vmem>>)
      %add3A_381 = arith.constant 0 : i32
      %add3A_382 = arith.addi %add3A_352, %add3A_381 : i32
      %add3A_383 = arith.constant 1 : i32
      %add3A_384 = arith.addi %add3A_382, %add3A_383 : i32
      %dma_start3A_385 = arith.constant 1 : i32
      %dma_start3A_386 = arith.constant 0 : i32
      %dma_start3A_387 = arith.constant 0 : i32
      %dma_start3A_388 = tpu.memref_slice %arg9[%dma_start3A_385, %dma_start3A_386, %dma_start3A_387] : memref<2x128x128xf32, #tpu.memory_space<vmem>> -> memref<1x128x128xf32, #tpu.memory_space<vmem>>
      %dma_start3A_389 = tpu.memref_squeeze %dma_start3A_388 : memref<1x128x128xf32, #tpu.memory_space<vmem>> -> memref<128x128xf32, #tpu.memory_space<vmem>>
      %dma_start3A_390 = arith.constant 0 : i32
      %dma_start3A_391 = tpu.memref_slice %arg7[%add3A_384, %dma_start3A_390] : memref<79x128xi32, #tpu.memory_space<vmem>> -> memref<1x128xi32, #tpu.memory_space<vmem>>
      %dma_start3A_392 = tpu.memref_squeeze %dma_start3A_391 : memref<1x128xi32, #tpu.memory_space<vmem>> -> memref<128xi32, #tpu.memory_space<vmem>>
      %dma_start3A_393 = arith.constant 0 : i32
      %dma_start3A_394 = arith.constant 0 : i32
      %dma_start3A_395 = tpu.memref_slice %arg2[%dma_start3A_393, %dma_start3A_394] : memref<10000x128xf32, #tpu.memory_space<hbm>> -> memref<10000x128xf32, #tpu.memory_space<hbm>>
      tpu.enqueue_indirect_dma source(%dma_start3A_395 : memref<10000x128xf32, #tpu.memory_space<hbm>>) target(%dma_start3A_389 : memref<128x128xf32, #tpu.memory_space<vmem>>) offsets(%dma_start3A_392 : memref<128xi32, #tpu.memory_space<vmem>>) semaphore(%arg11 : memref<!tpu.dma_semaphore, #tpu.memory_space<semaphore_mem>>)
      %dma_wait3A_396 = arith.constant 0 : i32
      %dma_wait3A_397 = tpu.memref_slice %arg4[%add3A, %add3A_352, %dma_wait3A_396] : memref<32x79x128xi32, #tpu.memory_space<hbm>> -> memref<1x8x128xi32, #tpu.memory_space<hbm>>
      %dma_wait3A_398 = tpu.memref_squeeze %dma_wait3A_397 : memref<1x8x128xi32, #tpu.memory_space<hbm>> -> memref<8x128xi32, #tpu.memory_space<hbm>>
      %dma_wait3A_399 = arith.constant 0 : i32
      %dma_wait3A_400 = tpu.memref_slice %arg4[%add3A, %add3A_352, %dma_wait3A_399] : memref<32x79x128xi32, #tpu.memory_space<hbm>> -> memref<1x8x128xi32, #tpu.memory_space<hbm>>
      %dma_wait3A_401 = tpu.memref_squeeze %dma_wait3A_400 : memref<1x8x128xi32, #tpu.memory_space<hbm>> -> memref<8x128xi32, #tpu.memory_space<hbm>>
      tpu.wait_dma2 semaphore(%arg13 : memref<!tpu.dma_semaphore, #tpu.memory_space<semaphore_mem>>) src(%dma_wait3A_401 : memref<8x128xi32, #tpu.memory_space<hbm>>) dst(%arg8 : memref<8x128xi32, #tpu.memory_space<vmem>>)
      %dma_start3A_402 = arith.constant 0 : i32
      %dma_start3A_403 = arith.constant 0 : i32
      %dma_start3A_404 = arith.constant 0 : i32
      %dma_start3A_405 = arith.constant 0 : i32
      %dma_start3A_406 = tpu.memref_slice %arg9[%dma_start3A_402, %dma_start3A_404, %dma_start3A_405] : memref<2x128x128xf32, #tpu.memory_space<vmem>> -> memref<1x128x128xf32, #tpu.memory_space<vmem>>
      %dma_start3A_407 = tpu.memref_squeeze %dma_start3A_406 : memref<1x128x128xf32, #tpu.memory_space<vmem>> -> memref<128x128xf32, #tpu.memory_space<vmem>>
      %dma_start3A_408 = arith.constant 0 : i32
      %dma_start3A_409 = tpu.memref_slice %arg8[%dma_start3A_403, %dma_start3A_408] : memref<8x128xi32, #tpu.memory_space<vmem>> -> memref<1x128xi32, #tpu.memory_space<vmem>>
      %dma_start3A_410 = tpu.memref_squeeze %dma_start3A_409 : memref<1x128xi32, #tpu.memory_space<vmem>> -> memref<128xi32, #tpu.memory_space<vmem>>
      %dma_start3A_411 = arith.constant 0 : i32
      %dma_start3A_412 = arith.constant 0 : i32
      %dma_start3A_413 = tpu.memref_slice %arg10[%dma_start3A_411, %dma_start3A_412] : memref<10112x128xf32, #tpu.memory_space<vmem_shared>> -> memref<10112x128xf32, #tpu.memory_space<vmem_shared>>
      tpu.enqueue_indirect_dma source(%dma_start3A_407 : memref<128x128xf32, #tpu.memory_space<vmem>>) target(%dma_start3A_413 : memref<10112x128xf32, #tpu.memory_space<vmem_shared>>) offsets(%dma_start3A_410 : memref<128xi32, #tpu.memory_space<vmem>>) semaphore(%arg12 : memref<!tpu.dma_semaphore, #tpu.memory_space<semaphore_mem>>) {add = true}
      %dma_wait3A_414 = arith.constant 1 : i32
      %dma_wait3A_415 = arith.constant 0 : i32
      %dma_wait3A_416 = arith.constant 0 : i32
      %dma_wait3A_417 = tpu.memref_slice %arg9[%dma_wait3A_414, %dma_wait3A_415, %dma_wait3A_416] : memref<2x128x128xf32, #tpu.memory_space<vmem>> -> memref<1x128x128xf32, #tpu.memory_space<vmem>>
      %dma_wait3A_418 = tpu.memref_squeeze %dma_wait3A_417 : memref<1x128x128xf32, #tpu.memory_space<vmem>> -> memref<128x128xf32, #tpu.memory_space<vmem>>
      %dma_wait3A_419 = arith.constant 0 : i32
      %dma_wait3A_420 = tpu.memref_slice %arg7[%add3A_384, %dma_wait3A_419] : memref<79x128xi32, #tpu.memory_space<vmem>> -> memref<1x128xi32, #tpu.memory_space<vmem>>
      %dma_wait3A_421 = tpu.memref_squeeze %dma_wait3A_420 : memref<1x128xi32, #tpu.memory_space<vmem>> -> memref<128xi32, #tpu.memory_space<vmem>>
      %dma_wait3A_422 = arith.constant 0 : i32
      %dma_wait3A_423 = arith.constant 0 : i32
      %dma_wait3A_424 = tpu.memref_slice %arg2[%dma_wait3A_422, %dma_wait3A_423] : memref<10000x128xf32, #tpu.memory_space<hbm>> -> memref<10000x128xf32, #tpu.memory_space<hbm>>
      tpu.wait_indirect_dma semaphore(%arg11 : memref<!tpu.dma_semaphore, #tpu.memory_space<semaphore_mem>>) src(%dma_wait3A_424 : memref<10000x128xf32, #tpu.memory_space<hbm>>) dst(%dma_wait3A_418 : memref<128x128xf32, #tpu.memory_space<vmem>>)
      %dma_wait3A_425 = arith.constant 0 : i32
      %dma_wait3A_426 = arith.constant 0 : i32
      %dma_wait3A_427 = arith.constant 0 : i32
      %dma_wait3A_428 = arith.constant 0 : i32
      %dma_wait3A_429 = tpu.memref_slice %arg9[%dma_wait3A_425, %dma_wait3A_427, %dma_wait3A_428] : memref<2x128x128xf32, #tpu.memory_space<vmem>> -> memref<1x128x128xf32, #tpu.memory_space<vmem>>
      %dma_wait3A_430 = tpu.memref_squeeze %dma_wait3A_429 : memref<1x128x128xf32, #tpu.memory_space<vmem>> -> memref<128x128xf32, #tpu.memory_space<vmem>>
      %dma_wait3A_431 = arith.constant 0 : i32
      %dma_wait3A_432 = tpu.memref_slice %arg8[%dma_wait3A_426, %dma_wait3A_431] : memref<8x128xi32, #tpu.memory_space<vmem>> -> memref<1x128xi32, #tpu.memory_space<vmem>>
      %dma_wait3A_433 = tpu.memref_squeeze %dma_wait3A_432 : memref<1x128xi32, #tpu.memory_space<vmem>> -> memref<128xi32, #tpu.memory_space<vmem>>
      %dma_wait3A_434 = arith.constant 0 : i32
      %dma_wait3A_435 = arith.constant 0 : i32
      %dma_wait3A_436 = tpu.memref_slice %arg10[%dma_wait3A_434, %dma_wait3A_435] : memref<10112x128xf32, #tpu.memory_space<vmem_shared>> -> memref<10112x128xf32, #tpu.memory_space<vmem_shared>>
      tpu.wait_indirect_dma semaphore(%arg12 : memref<!tpu.dma_semaphore, #tpu.memory_space<semaphore_mem>>) src(%dma_wait3A_430 : memref<128x128xf32, #tpu.memory_space<vmem>>) dst(%dma_wait3A_436 : memref<10112x128xf32, #tpu.memory_space<vmem_shared>>)
      %add3A_437 = arith.constant 1 : i32
      %add3A_438 = arith.addi %add3A_352, %add3A_437 : i32
      %add3A_439 = arith.constant 1 : i32
      %add3A_440 = arith.addi %add3A_438, %add3A_439 : i32
      %dma_start3A_441 = arith.constant 0 : i32
      %dma_start3A_442 = arith.constant 0 : i32
      %dma_start3A_443 = arith.constant 0 : i32
      %dma_start3A_444 = tpu.memref_slice %arg9[%dma_start3A_441, %dma_start3A_442, %dma_start3A_443] : memref<2x128x128xf32, #tpu.memory_space<vmem>> -> memref<1x128x128xf32, #tpu.memory_space<vmem>>
      %dma_start3A_445 = tpu.memref_squeeze %dma_start3A_444 : memref<1x128x128xf32, #tpu.memory_space<vmem>> -> memref<128x128xf32, #tpu.memory_space<vmem>>
      %dma_start3A_446 = arith.constant 0 : i32
      %dma_start3A_447 = tpu.memref_slice %arg7[%add3A_440, %dma_start3A_446] : memref<79x128xi32, #tpu.memory_space<vmem>> -> memref<1x128xi32, #tpu.memory_space<vmem>>
      %dma_start3A_448 = tpu.memref_squeeze %dma_start3A_447 : memref<1x128xi32, #tpu.memory_space<vmem>> -> memref<128xi32, #tpu.memory_space<vmem>>
      %dma_start3A_449 = arith.constant 0 : i32
      %dma_start3A_450 = arith.constant 0 : i32
      %dma_start3A_451 = tpu.memref_slice %arg2[%dma_start3A_449, %dma_start3A_450] : memref<10000x128xf32, #tpu.memory_space<hbm>> -> memref<10000x128xf32, #tpu.memory_space<hbm>>
      tpu.enqueue_indirect_dma source(%dma_start3A_451 : memref<10000x128xf32, #tpu.memory_space<hbm>>) target(%dma_start3A_445 : memref<128x128xf32, #tpu.memory_space<vmem>>) offsets(%dma_start3A_448 : memref<128xi32, #tpu.memory_space<vmem>>) semaphore(%arg11 : memref<!tpu.dma_semaphore, #tpu.memory_space<semaphore_mem>>)
      %dma_start3A_452 = arith.constant 1 : i32
      %dma_start3A_453 = arith.constant 1 : i32
      %dma_start3A_454 = arith.constant 0 : i32
      %dma_start3A_455 = arith.constant 0 : i32
      %dma_start3A_456 = tpu.memref_slice %arg9[%dma_start3A_452, %dma_start3A_454, %dma_start3A_455] : memref<2x128x128xf32, #tpu.memory_space<vmem>> -> memref<1x128x128xf32, #tpu.memory_space<vmem>>
      %dma_start3A_457 = tpu.memref_squeeze %dma_start3A_456 : memref<1x128x128xf32, #tpu.memory_space<vmem>> -> memref<128x128xf32, #tpu.memory_space<vmem>>
      %dma_start3A_458 = arith.constant 0 : i32
      %dma_start3A_459 = tpu.memref_slice %arg8[%dma_start3A_453, %dma_start3A_458] : memref<8x128xi32, #tpu.memory_space<vmem>> -> memref<1x128xi32, #tpu.memory_space<vmem>>
      %dma_start3A_460 = tpu.memref_squeeze %dma_start3A_459 : memref<1x128xi32, #tpu.memory_space<vmem>> -> memref<128xi32, #tpu.memory_space<vmem>>
      %dma_start3A_461 = arith.constant 0 : i32
      %dma_start3A_462 = arith.constant 0 : i32
      %dma_start3A_463 = tpu.memref_slice %arg10[%dma_start3A_461, %dma_start3A_462] : memref<10112x128xf32, #tpu.memory_space<vmem_shared>> -> memref<10112x128xf32, #tpu.memory_space<vmem_shared>>
      tpu.enqueue_indirect_dma source(%dma_start3A_457 : memref<128x128xf32, #tpu.memory_space<vmem>>) target(%dma_start3A_463 : memref<10112x128xf32, #tpu.memory_space<vmem_shared>>) offsets(%dma_start3A_460 : memref<128xi32, #tpu.memory_space<vmem>>) semaphore(%arg12 : memref<!tpu.dma_semaphore, #tpu.memory_space<semaphore_mem>>) {add = true}
      %dma_wait3A_464 = arith.constant 0 : i32
      %dma_wait3A_465 = arith.constant 0 : i32
      %dma_wait3A_466 = arith.constant 0 : i32
      %dma_wait3A_467 = tpu.memref_slice %arg9[%dma_wait3A_464, %dma_wait3A_465, %dma_wait3A_466] : memref<2x128x128xf32, #tpu.memory_space<vmem>> -> memref<1x128x128xf32, #tpu.memory_space<vmem>>
      %dma_wait3A_468 = tpu.memref_squeeze %dma_wait3A_467 : memref<1x128x128xf32, #tpu.memory_space<vmem>> -> memref<128x128xf32, #tpu.memory_space<vmem>>
      %dma_wait3A_469 = arith.constant 0 : i32
      %dma_wait3A_470 = tpu.memref_slice %arg7[%add3A_440, %dma_wait3A_469] : memref<79x128xi32, #tpu.memory_space<vmem>> -> memref<1x128xi32, #tpu.memory_space<vmem>>
      %dma_wait3A_471 = tpu.memref_squeeze %dma_wait3A_470 : memref<1x128xi32, #tpu.memory_space<vmem>> -> memref<128xi32, #tpu.memory_space<vmem>>
      %dma_wait3A_472 = arith.constant 0 : i32
      %dma_wait3A_473 = arith.constant 0 : i32
      %dma_wait3A_474 = tpu.memref_slice %arg2[%dma_wait3A_472, %dma_wait3A_473] : memref<10000x128xf32, #tpu.memory_space<hbm>> -> memref<10000x128xf32, #tpu.memory_space<hbm>>
      tpu.wait_indirect_dma semaphore(%arg11 : memref<!tpu.dma_semaphore, #tpu.memory_space<semaphore_mem>>) src(%dma_wait3A_474 : memref<10000x128xf32, #tpu.memory_space<hbm>>) dst(%dma_wait3A_468 : memref<128x128xf32, #tpu.memory_space<vmem>>)
      %dma_wait3A_475 = arith.constant 1 : i32
      %dma_wait3A_476 = arith.constant 1 : i32
      %dma_wait3A_477 = arith.constant 0 : i32
      %dma_wait3A_478 = arith.constant 0 : i32
      %dma_wait3A_479 = tpu.memref_slice %arg9[%dma_wait3A_475, %dma_wait3A_477, %dma_wait3A_478] : memref<2x128x128xf32, #tpu.memory_space<vmem>> -> memref<1x128x128xf32, #tpu.memory_space<vmem>>
      %dma_wait3A_480 = tpu.memref_squeeze %dma_wait3A_479 : memref<1x128x128xf32, #tpu.memory_space<vmem>> -> memref<128x128xf32, #tpu.memory_space<vmem>>
      %dma_wait3A_481 = arith.constant 0 : i32
      %dma_wait3A_482 = tpu.memref_slice %arg8[%dma_wait3A_476, %dma_wait3A_481] : memref<8x128xi32, #tpu.memory_space<vmem>> -> memref<1x128xi32, #tpu.memory_space<vmem>>
      %dma_wait3A_483 = tpu.memref_squeeze %dma_wait3A_482 : memref<1x128xi32, #tpu.memory_space<vmem>> -> memref<128xi32, #tpu.memory_space<vmem>>
      %dma_wait3A_484 = arith.constant 0 : i32
      %dma_wait3A_485 = arith.constant 0 : i32
      %dma_wait3A_486 = tpu.memref_slice %arg10[%dma_wait3A_484, %dma_wait3A_485] : memref<10112x128xf32, #tpu.memory_space<vmem_shared>> -> memref<10112x128xf32, #tpu.memory_space<vmem_shared>>
      tpu.wait_indirect_dma semaphore(%arg12 : memref<!tpu.dma_semaphore, #tpu.memory_space<semaphore_mem>>) src(%dma_wait3A_480 : memref<128x128xf32, #tpu.memory_space<vmem>>) dst(%dma_wait3A_486 : memref<10112x128xf32, #tpu.memory_space<vmem_shared>>)
      %add3A_487 = arith.constant 2 : i32
      %add3A_488 = arith.addi %add3A_352, %add3A_487 : i32
      %add3A_489 = arith.constant 1 : i32
      %add3A_490 = arith.addi %add3A_488, %add3A_489 : i32
      %dma_start3A_491 = arith.constant 1 : i32
      %dma_start3A_492 = arith.constant 0 : i32
      %dma_start3A_493 = arith.constant 0 : i32
      %dma_start3A_494 = tpu.memref_slice %arg9[%dma_start3A_491, %dma_start3A_492, %dma_start3A_493] : memref<2x128x128xf32, #tpu.memory_space<vmem>> -> memref<1x128x128xf32, #tpu.memory_space<vmem>>
      %dma_start3A_495 = tpu.memref_squeeze %dma_start3A_494 : memref<1x128x128xf32, #tpu.memory_space<vmem>> -> memref<128x128xf32, #tpu.memory_space<vmem>>
      %dma_start3A_496 = arith.constant 0 : i32
      %dma_start3A_497 = tpu.memref_slice %arg7[%add3A_490, %dma_start3A_496] : memref<79x128xi32, #tpu.memory_space<vmem>> -> memref<1x128xi32, #tpu.memory_space<vmem>>
      %dma_start3A_498 = tpu.memref_squeeze %dma_start3A_497 : memref<1x128xi32, #tpu.memory_space<vmem>> -> memref<128xi32, #tpu.memory_space<vmem>>
      %dma_start3A_499 = arith.constant 0 : i32
      %dma_start3A_500 = arith.constant 0 : i32
      %dma_start3A_501 = tpu.memref_slice %arg2[%dma_start3A_499, %dma_start3A_500] : memref<10000x128xf32, #tpu.memory_space<hbm>> -> memref<10000x128xf32, #tpu.memory_space<hbm>>
      tpu.enqueue_indirect_dma source(%dma_start3A_501 : memref<10000x128xf32, #tpu.memory_space<hbm>>) target(%dma_start3A_495 : memref<128x128xf32, #tpu.memory_space<vmem>>) offsets(%dma_start3A_498 : memref<128xi32, #tpu.memory_space<vmem>>) semaphore(%arg11 : memref<!tpu.dma_semaphore, #tpu.memory_space<semaphore_mem>>)
      %dma_start3A_502 = arith.constant 0 : i32
      %dma_start3A_503 = arith.constant 2 : i32
      %dma_start3A_504 = arith.constant 0 : i32
      %dma_start3A_505 = arith.constant 0 : i32
      %dma_start3A_506 = tpu.memref_slice %arg9[%dma_start3A_502, %dma_start3A_504, %dma_start3A_505] : memref<2x128x128xf32, #tpu.memory_space<vmem>> -> memref<1x128x128xf32, #tpu.memory_space<vmem>>
      %dma_start3A_507 = tpu.memref_squeeze %dma_start3A_506 : memref<1x128x128xf32, #tpu.memory_space<vmem>> -> memref<128x128xf32, #tpu.memory_space<vmem>>
      %dma_start3A_508 = arith.constant 0 : i32
      %dma_start3A_509 = tpu.memref_slice %arg8[%dma_start3A_503, %dma_start3A_508] : memref<8x128xi32, #tpu.memory_space<vmem>> -> memref<1x128xi32, #tpu.memory_space<vmem>>
      %dma_start3A_510 = tpu.memref_squeeze %dma_start3A_509 : memref<1x128xi32, #tpu.memory_space<vmem>> -> memref<128xi32, #tpu.memory_space<vmem>>
      %dma_start3A_511 = arith.constant 0 : i32
      %dma_start3A_512 = arith.constant 0 : i32
      %dma_start3A_513 = tpu.memref_slice %arg10[%dma_start3A_511, %dma_start3A_512] : memref<10112x128xf32, #tpu.memory_space<vmem_shared>> -> memref<10112x128xf32, #tpu.memory_space<vmem_shared>>
      tpu.enqueue_indirect_dma source(%dma_start3A_507 : memref<128x128xf32, #tpu.memory_space<vmem>>) target(%dma_start3A_513 : memref<10112x128xf32, #tpu.memory_space<vmem_shared>>) offsets(%dma_start3A_510 : memref<128xi32, #tpu.memory_space<vmem>>) semaphore(%arg12 : memref<!tpu.dma_semaphore, #tpu.memory_space<semaphore_mem>>) {add = true}
      %dma_wait3A_514 = arith.constant 1 : i32
      %dma_wait3A_515 = arith.constant 0 : i32
      %dma_wait3A_516 = arith.constant 0 : i32
      %dma_wait3A_517 = tpu.memref_slice %arg9[%dma_wait3A_514, %dma_wait3A_515, %dma_wait3A_516] : memref<2x128x128xf32, #tpu.memory_space<vmem>> -> memref<1x128x128xf32, #tpu.memory_space<vmem>>
      %dma_wait3A_518 = tpu.memref_squeeze %dma_wait3A_517 : memref<1x128x128xf32, #tpu.memory_space<vmem>> -> memref<128x128xf32, #tpu.memory_space<vmem>>
      %dma_wait3A_519 = arith.constant 0 : i32
      %dma_wait3A_520 = tpu.memref_slice %arg7[%add3A_490, %dma_wait3A_519] : memref<79x128xi32, #tpu.memory_space<vmem>> -> memref<1x128xi32, #tpu.memory_space<vmem>>
      %dma_wait3A_521 = tpu.memref_squeeze %dma_wait3A_520 : memref<1x128xi32, #tpu.memory_space<vmem>> -> memref<128xi32, #tpu.memory_space<vmem>>
      %dma_wait3A_522 = arith.constant 0 : i32
      %dma_wait3A_523 = arith.constant 0 : i32
      %dma_wait3A_524 = tpu.memref_slice %arg2[%dma_wait3A_522, %dma_wait3A_523] : memref<10000x128xf32, #tpu.memory_space<hbm>> -> memref<10000x128xf32, #tpu.memory_space<hbm>>
      tpu.wait_indirect_dma semaphore(%arg11 : memref<!tpu.dma_semaphore, #tpu.memory_space<semaphore_mem>>) src(%dma_wait3A_524 : memref<10000x128xf32, #tpu.memory_space<hbm>>) dst(%dma_wait3A_518 : memref<128x128xf32, #tpu.memory_space<vmem>>)
      %dma_wait3A_525 = arith.constant 0 : i32
      %dma_wait3A_526 = arith.constant 2 : i32
      %dma_wait3A_527 = arith.constant 0 : i32
      %dma_wait3A_528 = arith.constant 0 : i32
      %dma_wait3A_529 = tpu.memref_slice %arg9[%dma_wait3A_525, %dma_wait3A_527, %dma_wait3A_528] : memref<2x128x128xf32, #tpu.memory_space<vmem>> -> memref<1x128x128xf32, #tpu.memory_space<vmem>>
      %dma_wait3A_530 = tpu.memref_squeeze %dma_wait3A_529 : memref<1x128x128xf32, #tpu.memory_space<vmem>> -> memref<128x128xf32, #tpu.memory_space<vmem>>
      %dma_wait3A_531 = arith.constant 0 : i32
      %dma_wait3A_532 = tpu.memref_slice %arg8[%dma_wait3A_526, %dma_wait3A_531] : memref<8x128xi32, #tpu.memory_space<vmem>> -> memref<1x128xi32, #tpu.memory_space<vmem>>
      %dma_wait3A_533 = tpu.memref_squeeze %dma_wait3A_532 : memref<1x128xi32, #tpu.memory_space<vmem>> -> memref<128xi32, #tpu.memory_space<vmem>>
      %dma_wait3A_534 = arith.constant 0 : i32
      %dma_wait3A_535 = arith.constant 0 : i32
      %dma_wait3A_536 = tpu.memref_slice %arg10[%dma_wait3A_534, %dma_wait3A_535] : memref<10112x128xf32, #tpu.memory_space<vmem_shared>> -> memref<10112x128xf32, #tpu.memory_space<vmem_shared>>
      tpu.wait_indirect_dma semaphore(%arg12 : memref<!tpu.dma_semaphore, #tpu.memory_space<semaphore_mem>>) src(%dma_wait3A_530 : memref<128x128xf32, #tpu.memory_space<vmem>>) dst(%dma_wait3A_536 : memref<10112x128xf32, #tpu.memory_space<vmem_shared>>)
      %add3A_537 = arith.constant 3 : i32
      %add3A_538 = arith.addi %add3A_352, %add3A_537 : i32
      %add3A_539 = arith.constant 1 : i32
      %add3A_540 = arith.addi %add3A_538, %add3A_539 : i32
      %dma_start3A_541 = arith.constant 0 : i32
      %dma_start3A_542 = arith.constant 0 : i32
      %dma_start3A_543 = arith.constant 0 : i32
      %dma_start3A_544 = tpu.memref_slice %arg9[%dma_start3A_541, %dma_start3A_542, %dma_start3A_543] : memref<2x128x128xf32, #tpu.memory_space<vmem>> -> memref<1x128x128xf32, #tpu.memory_space<vmem>>
      %dma_start3A_545 = tpu.memref_squeeze %dma_start3A_544 : memref<1x128x128xf32, #tpu.memory_space<vmem>> -> memref<128x128xf32, #tpu.memory_space<vmem>>
      %dma_start3A_546 = arith.constant 0 : i32
      %dma_start3A_547 = tpu.memref_slice %arg7[%add3A_540, %dma_start3A_546] : memref<79x128xi32, #tpu.memory_space<vmem>> -> memref<1x128xi32, #tpu.memory_space<vmem>>
      %dma_start3A_548 = tpu.memref_squeeze %dma_start3A_547 : memref<1x128xi32, #tpu.memory_space<vmem>> -> memref<128xi32, #tpu.memory_space<vmem>>
      %dma_start3A_549 = arith.constant 0 : i32
      %dma_start3A_550 = arith.constant 0 : i32
      %dma_start3A_551 = tpu.memref_slice %arg2[%dma_start3A_549, %dma_start3A_550] : memref<10000x128xf32, #tpu.memory_space<hbm>> -> memref<10000x128xf32, #tpu.memory_space<hbm>>
      tpu.enqueue_indirect_dma source(%dma_start3A_551 : memref<10000x128xf32, #tpu.memory_space<hbm>>) target(%dma_start3A_545 : memref<128x128xf32, #tpu.memory_space<vmem>>) offsets(%dma_start3A_548 : memref<128xi32, #tpu.memory_space<vmem>>) semaphore(%arg11 : memref<!tpu.dma_semaphore, #tpu.memory_space<semaphore_mem>>)
      %dma_start3A_552 = arith.constant 1 : i32
      %dma_start3A_553 = arith.constant 3 : i32
      %dma_start3A_554 = arith.constant 0 : i32
      %dma_start3A_555 = arith.constant 0 : i32
      %dma_start3A_556 = tpu.memref_slice %arg9[%dma_start3A_552, %dma_start3A_554, %dma_start3A_555] : memref<2x128x128xf32, #tpu.memory_space<vmem>> -> memref<1x128x128xf32, #tpu.memory_space<vmem>>
      %dma_start3A_557 = tpu.memref_squeeze %dma_start3A_556 : memref<1x128x128xf32, #tpu.memory_space<vmem>> -> memref<128x128xf32, #tpu.memory_space<vmem>>
      %dma_start3A_558 = arith.constant 0 : i32
      %dma_start3A_559 = tpu.memref_slice %arg8[%dma_start3A_553, %dma_start3A_558] : memref<8x128xi32, #tpu.memory_space<vmem>> -> memref<1x128xi32, #tpu.memory_space<vmem>>
      %dma_start3A_560 = tpu.memref_squeeze %dma_start3A_559 : memref<1x128xi32, #tpu.memory_space<vmem>> -> memref<128xi32, #tpu.memory_space<vmem>>
      %dma_start3A_561 = arith.constant 0 : i32
      %dma_start3A_562 = arith.constant 0 : i32
      %dma_start3A_563 = tpu.memref_slice %arg10[%dma_start3A_561, %dma_start3A_562] : memref<10112x128xf32, #tpu.memory_space<vmem_shared>> -> memref<10112x128xf32, #tpu.memory_space<vmem_shared>>
      tpu.enqueue_indirect_dma source(%dma_start3A_557 : memref<128x128xf32, #tpu.memory_space<vmem>>) target(%dma_start3A_563 : memref<10112x128xf32, #tpu.memory_space<vmem_shared>>) offsets(%dma_start3A_560 : memref<128xi32, #tpu.memory_space<vmem>>) semaphore(%arg12 : memref<!tpu.dma_semaphore, #tpu.memory_space<semaphore_mem>>) {add = true}
      %dma_wait3A_564 = arith.constant 0 : i32
      %dma_wait3A_565 = arith.constant 0 : i32
      %dma_wait3A_566 = arith.constant 0 : i32
      %dma_wait3A_567 = tpu.memref_slice %arg9[%dma_wait3A_564, %dma_wait3A_565, %dma_wait3A_566] : memref<2x128x128xf32, #tpu.memory_space<vmem>> -> memref<1x128x128xf32, #tpu.memory_space<vmem>>
      %dma_wait3A_568 = tpu.memref_squeeze %dma_wait3A_567 : memref<1x128x128xf32, #tpu.memory_space<vmem>> -> memref<128x128xf32, #tpu.memory_space<vmem>>
      %dma_wait3A_569 = arith.constant 0 : i32
      %dma_wait3A_570 = tpu.memref_slice %arg7[%add3A_540, %dma_wait3A_569] : memref<79x128xi32, #tpu.memory_space<vmem>> -> memref<1x128xi32, #tpu.memory_space<vmem>>
      %dma_wait3A_571 = tpu.memref_squeeze %dma_wait3A_570 : memref<1x128xi32, #tpu.memory_space<vmem>> -> memref<128xi32, #tpu.memory_space<vmem>>
      %dma_wait3A_572 = arith.constant 0 : i32
      %dma_wait3A_573 = arith.constant 0 : i32
      %dma_wait3A_574 = tpu.memref_slice %arg2[%dma_wait3A_572, %dma_wait3A_573] : memref<10000x128xf32, #tpu.memory_space<hbm>> -> memref<10000x128xf32, #tpu.memory_space<hbm>>
      tpu.wait_indirect_dma semaphore(%arg11 : memref<!tpu.dma_semaphore, #tpu.memory_space<semaphore_mem>>) src(%dma_wait3A_574 : memref<10000x128xf32, #tpu.memory_space<hbm>>) dst(%dma_wait3A_568 : memref<128x128xf32, #tpu.memory_space<vmem>>)
      %dma_wait3A_575 = arith.constant 1 : i32
      %dma_wait3A_576 = arith.constant 3 : i32
      %dma_wait3A_577 = arith.constant 0 : i32
      %dma_wait3A_578 = arith.constant 0 : i32
      %dma_wait3A_579 = tpu.memref_slice %arg9[%dma_wait3A_575, %dma_wait3A_577, %dma_wait3A_578] : memref<2x128x128xf32, #tpu.memory_space<vmem>> -> memref<1x128x128xf32, #tpu.memory_space<vmem>>
      %dma_wait3A_580 = tpu.memref_squeeze %dma_wait3A_579 : memref<1x128x128xf32, #tpu.memory_space<vmem>> -> memref<128x128xf32, #tpu.memory_space<vmem>>
      %dma_wait3A_581 = arith.constant 0 : i32
      %dma_wait3A_582 = tpu.memref_slice %arg8[%dma_wait3A_576, %dma_wait3A_581] : memref<8x128xi32, #tpu.memory_space<vmem>> -> memref<1x128xi32, #tpu.memory_space<vmem>>
      %dma_wait3A_583 = tpu.memref_squeeze %dma_wait3A_582 : memref<1x128xi32, #tpu.memory_space<vmem>> -> memref<128xi32, #tpu.memory_space<vmem>>
      %dma_wait3A_584 = arith.constant 0 : i32
      %dma_wait3A_585 = arith.constant 0 : i32
      %dma_wait3A_586 = tpu.memref_slice %arg10[%dma_wait3A_584, %dma_wait3A_585] : memref<10112x128xf32, #tpu.memory_space<vmem_shared>> -> memref<10112x128xf32, #tpu.memory_space<vmem_shared>>
      tpu.wait_indirect_dma semaphore(%arg12 : memref<!tpu.dma_semaphore, #tpu.memory_space<semaphore_mem>>) src(%dma_wait3A_580 : memref<128x128xf32, #tpu.memory_space<vmem>>) dst(%dma_wait3A_586 : memref<10112x128xf32, #tpu.memory_space<vmem_shared>>)
      %add3A_587 = arith.constant 4 : i32
      %add3A_588 = arith.addi %add3A_352, %add3A_587 : i32
      %add3A_589 = arith.constant 1 : i32
      %add3A_590 = arith.addi %add3A_588, %add3A_589 : i32
      %dma_start3A_591 = arith.constant 1 : i32
      %dma_start3A_592 = arith.constant 0 : i32
      %dma_start3A_593 = arith.constant 0 : i32
      %dma_start3A_594 = tpu.memref_slice %arg9[%dma_start3A_591, %dma_start3A_592, %dma_start3A_593] : memref<2x128x128xf32, #tpu.memory_space<vmem>> -> memref<1x128x128xf32, #tpu.memory_space<vmem>>
      %dma_start3A_595 = tpu.memref_squeeze %dma_start3A_594 : memref<1x128x128xf32, #tpu.memory_space<vmem>> -> memref<128x128xf32, #tpu.memory_space<vmem>>
      %dma_start3A_596 = arith.constant 0 : i32
      %dma_start3A_597 = tpu.memref_slice %arg7[%add3A_590, %dma_start3A_596] : memref<79x128xi32, #tpu.memory_space<vmem>> -> memref<1x128xi32, #tpu.memory_space<vmem>>
      %dma_start3A_598 = tpu.memref_squeeze %dma_start3A_597 : memref<1x128xi32, #tpu.memory_space<vmem>> -> memref<128xi32, #tpu.memory_space<vmem>>
      %dma_start3A_599 = arith.constant 0 : i32
      %dma_start3A_600 = arith.constant 0 : i32
      %dma_start3A_601 = tpu.memref_slice %arg2[%dma_start3A_599, %dma_start3A_600] : memref<10000x128xf32, #tpu.memory_space<hbm>> -> memref<10000x128xf32, #tpu.memory_space<hbm>>
      tpu.enqueue_indirect_dma source(%dma_start3A_601 : memref<10000x128xf32, #tpu.memory_space<hbm>>) target(%dma_start3A_595 : memref<128x128xf32, #tpu.memory_space<vmem>>) offsets(%dma_start3A_598 : memref<128xi32, #tpu.memory_space<vmem>>) semaphore(%arg11 : memref<!tpu.dma_semaphore, #tpu.memory_space<semaphore_mem>>)
      %dma_start3A_602 = arith.constant 0 : i32
      %dma_start3A_603 = arith.constant 4 : i32
      %dma_start3A_604 = arith.constant 0 : i32
      %dma_start3A_605 = arith.constant 0 : i32
      %dma_start3A_606 = tpu.memref_slice %arg9[%dma_start3A_602, %dma_start3A_604, %dma_start3A_605] : memref<2x128x128xf32, #tpu.memory_space<vmem>> -> memref<1x128x128xf32, #tpu.memory_space<vmem>>
      %dma_start3A_607 = tpu.memref_squeeze %dma_start3A_606 : memref<1x128x128xf32, #tpu.memory_space<vmem>> -> memref<128x128xf32, #tpu.memory_space<vmem>>
      %dma_start3A_608 = arith.constant 0 : i32
      %dma_start3A_609 = tpu.memref_slice %arg8[%dma_start3A_603, %dma_start3A_608] : memref<8x128xi32, #tpu.memory_space<vmem>> -> memref<1x128xi32, #tpu.memory_space<vmem>>
      %dma_start3A_610 = tpu.memref_squeeze %dma_start3A_609 : memref<1x128xi32, #tpu.memory_space<vmem>> -> memref<128xi32, #tpu.memory_space<vmem>>
      %dma_start3A_611 = arith.constant 0 : i32
      %dma_start3A_612 = arith.constant 0 : i32
      %dma_start3A_613 = tpu.memref_slice %arg10[%dma_start3A_611, %dma_start3A_612] : memref<10112x128xf32, #tpu.memory_space<vmem_shared>> -> memref<10112x128xf32, #tpu.memory_space<vmem_shared>>
      tpu.enqueue_indirect_dma source(%dma_start3A_607 : memref<128x128xf32, #tpu.memory_space<vmem>>) target(%dma_start3A_613 : memref<10112x128xf32, #tpu.memory_space<vmem_shared>>) offsets(%dma_start3A_610 : memref<128xi32, #tpu.memory_space<vmem>>) semaphore(%arg12 : memref<!tpu.dma_semaphore, #tpu.memory_space<semaphore_mem>>) {add = true}
      %dma_wait3A_614 = arith.constant 1 : i32
      %dma_wait3A_615 = arith.constant 0 : i32
      %dma_wait3A_616 = arith.constant 0 : i32
      %dma_wait3A_617 = tpu.memref_slice %arg9[%dma_wait3A_614, %dma_wait3A_615, %dma_wait3A_616] : memref<2x128x128xf32, #tpu.memory_space<vmem>> -> memref<1x128x128xf32, #tpu.memory_space<vmem>>
      %dma_wait3A_618 = tpu.memref_squeeze %dma_wait3A_617 : memref<1x128x128xf32, #tpu.memory_space<vmem>> -> memref<128x128xf32, #tpu.memory_space<vmem>>
      %dma_wait3A_619 = arith.constant 0 : i32
      %dma_wait3A_620 = tpu.memref_slice %arg7[%add3A_590, %dma_wait3A_619] : memref<79x128xi32, #tpu.memory_space<vmem>> -> memref<1x128xi32, #tpu.memory_space<vmem>>
      %dma_wait3A_621 = tpu.memref_squeeze %dma_wait3A_620 : memref<1x128xi32, #tpu.memory_space<vmem>> -> memref<128xi32, #tpu.memory_space<vmem>>
      %dma_wait3A_622 = arith.constant 0 : i32
      %dma_wait3A_623 = arith.constant 0 : i32
      %dma_wait3A_624 = tpu.memref_slice %arg2[%dma_wait3A_622, %dma_wait3A_623] : memref<10000x128xf32, #tpu.memory_space<hbm>> -> memref<10000x128xf32, #tpu.memory_space<hbm>>
      tpu.wait_indirect_dma semaphore(%arg11 : memref<!tpu.dma_semaphore, #tpu.memory_space<semaphore_mem>>) src(%dma_wait3A_624 : memref<10000x128xf32, #tpu.memory_space<hbm>>) dst(%dma_wait3A_618 : memref<128x128xf32, #tpu.memory_space<vmem>>)
      %dma_wait3A_625 = arith.constant 0 : i32
      %dma_wait3A_626 = arith.constant 4 : i32
      %dma_wait3A_627 = arith.constant 0 : i32
      %dma_wait3A_628 = arith.constant 0 : i32
      %dma_wait3A_629 = tpu.memref_slice %arg9[%dma_wait3A_625, %dma_wait3A_627, %dma_wait3A_628] : memref<2x128x128xf32, #tpu.memory_space<vmem>> -> memref<1x128x128xf32, #tpu.memory_space<vmem>>
      %dma_wait3A_630 = tpu.memref_squeeze %dma_wait3A_629 : memref<1x128x128xf32, #tpu.memory_space<vmem>> -> memref<128x128xf32, #tpu.memory_space<vmem>>
      %dma_wait3A_631 = arith.constant 0 : i32
      %dma_wait3A_632 = tpu.memref_slice %arg8[%dma_wait3A_626, %dma_wait3A_631] : memref<8x128xi32, #tpu.memory_space<vmem>> -> memref<1x128xi32, #tpu.memory_space<vmem>>
      %dma_wait3A_633 = tpu.memref_squeeze %dma_wait3A_632 : memref<1x128xi32, #tpu.memory_space<vmem>> -> memref<128xi32, #tpu.memory_space<vmem>>
      %dma_wait3A_634 = arith.constant 0 : i32
      %dma_wait3A_635 = arith.constant 0 : i32
      %dma_wait3A_636 = tpu.memref_slice %arg10[%dma_wait3A_634, %dma_wait3A_635] : memref<10112x128xf32, #tpu.memory_space<vmem_shared>> -> memref<10112x128xf32, #tpu.memory_space<vmem_shared>>
      tpu.wait_indirect_dma semaphore(%arg12 : memref<!tpu.dma_semaphore, #tpu.memory_space<semaphore_mem>>) src(%dma_wait3A_630 : memref<128x128xf32, #tpu.memory_space<vmem>>) dst(%dma_wait3A_636 : memref<10112x128xf32, #tpu.memory_space<vmem_shared>>)
      %add3A_637 = arith.constant 5 : i32
      %add3A_638 = arith.addi %add3A_352, %add3A_637 : i32
      %add3A_639 = arith.constant 1 : i32
      %add3A_640 = arith.addi %add3A_638, %add3A_639 : i32
      %dma_start3A_641 = arith.constant 0 : i32
      %dma_start3A_642 = arith.constant 0 : i32
      %dma_start3A_643 = arith.constant 0 : i32
      %dma_start3A_644 = tpu.memref_slice %arg9[%dma_start3A_641, %dma_start3A_642, %dma_start3A_643] : memref<2x128x128xf32, #tpu.memory_space<vmem>> -> memref<1x128x128xf32, #tpu.memory_space<vmem>>
      %dma_start3A_645 = tpu.memref_squeeze %dma_start3A_644 : memref<1x128x128xf32, #tpu.memory_space<vmem>> -> memref<128x128xf32, #tpu.memory_space<vmem>>
      %dma_start3A_646 = arith.constant 0 : i32
      %dma_start3A_647 = tpu.memref_slice %arg7[%add3A_640, %dma_start3A_646] : memref<79x128xi32, #tpu.memory_space<vmem>> -> memref<1x128xi32, #tpu.memory_space<vmem>>
      %dma_start3A_648 = tpu.memref_squeeze %dma_start3A_647 : memref<1x128xi32, #tpu.memory_space<vmem>> -> memref<128xi32, #tpu.memory_space<vmem>>
      %dma_start3A_649 = arith.constant 0 : i32
      %dma_start3A_650 = arith.constant 0 : i32
      %dma_start3A_651 = tpu.memref_slice %arg2[%dma_start3A_649, %dma_start3A_650] : memref<10000x128xf32, #tpu.memory_space<hbm>> -> memref<10000x128xf32, #tpu.memory_space<hbm>>
      tpu.enqueue_indirect_dma source(%dma_start3A_651 : memref<10000x128xf32, #tpu.memory_space<hbm>>) target(%dma_start3A_645 : memref<128x128xf32, #tpu.memory_space<vmem>>) offsets(%dma_start3A_648 : memref<128xi32, #tpu.memory_space<vmem>>) semaphore(%arg11 : memref<!tpu.dma_semaphore, #tpu.memory_space<semaphore_mem>>)
      %dma_start3A_652 = arith.constant 1 : i32
      %dma_start3A_653 = arith.constant 5 : i32
      %dma_start3A_654 = arith.constant 0 : i32
      %dma_start3A_655 = arith.constant 0 : i32
      %dma_start3A_656 = tpu.memref_slice %arg9[%dma_start3A_652, %dma_start3A_654, %dma_start3A_655] : memref<2x128x128xf32, #tpu.memory_space<vmem>> -> memref<1x128x128xf32, #tpu.memory_space<vmem>>
      %dma_start3A_657 = tpu.memref_squeeze %dma_start3A_656 : memref<1x128x128xf32, #tpu.memory_space<vmem>> -> memref<128x128xf32, #tpu.memory_space<vmem>>
      %dma_start3A_658 = arith.constant 0 : i32
      %dma_start3A_659 = tpu.memref_slice %arg8[%dma_start3A_653, %dma_start3A_658] : memref<8x128xi32, #tpu.memory_space<vmem>> -> memref<1x128xi32, #tpu.memory_space<vmem>>
      %dma_start3A_660 = tpu.memref_squeeze %dma_start3A_659 : memref<1x128xi32, #tpu.memory_space<vmem>> -> memref<128xi32, #tpu.memory_space<vmem>>
      %dma_start3A_661 = arith.constant 0 : i32
      %dma_start3A_662 = arith.constant 0 : i32
      %dma_start3A_663 = tpu.memref_slice %arg10[%dma_start3A_661, %dma_start3A_662] : memref<10112x128xf32, #tpu.memory_space<vmem_shared>> -> memref<10112x128xf32, #tpu.memory_space<vmem_shared>>
      tpu.enqueue_indirect_dma source(%dma_start3A_657 : memref<128x128xf32, #tpu.memory_space<vmem>>) target(%dma_start3A_663 : memref<10112x128xf32, #tpu.memory_space<vmem_shared>>) offsets(%dma_start3A_660 : memref<128xi32, #tpu.memory_space<vmem>>) semaphore(%arg12 : memref<!tpu.dma_semaphore, #tpu.memory_space<semaphore_mem>>) {add = true}
      %dma_wait3A_664 = arith.constant 0 : i32
      %dma_wait3A_665 = arith.constant 0 : i32
      %dma_wait3A_666 = arith.constant 0 : i32
      %dma_wait3A_667 = tpu.memref_slice %arg9[%dma_wait3A_664, %dma_wait3A_665, %dma_wait3A_666] : memref<2x128x128xf32, #tpu.memory_space<vmem>> -> memref<1x128x128xf32, #tpu.memory_space<vmem>>
      %dma_wait3A_668 = tpu.memref_squeeze %dma_wait3A_667 : memref<1x128x128xf32, #tpu.memory_space<vmem>> -> memref<128x128xf32, #tpu.memory_space<vmem>>
      %dma_wait3A_669 = arith.constant 0 : i32
      %dma_wait3A_670 = tpu.memref_slice %arg7[%add3A_640, %dma_wait3A_669] : memref<79x128xi32, #tpu.memory_space<vmem>> -> memref<1x128xi32, #tpu.memory_space<vmem>>
      %dma_wait3A_671 = tpu.memref_squeeze %dma_wait3A_670 : memref<1x128xi32, #tpu.memory_space<vmem>> -> memref<128xi32, #tpu.memory_space<vmem>>
      %dma_wait3A_672 = arith.constant 0 : i32
      %dma_wait3A_673 = arith.constant 0 : i32
      %dma_wait3A_674 = tpu.memref_slice %arg2[%dma_wait3A_672, %dma_wait3A_673] : memref<10000x128xf32, #tpu.memory_space<hbm>> -> memref<10000x128xf32, #tpu.memory_space<hbm>>
      tpu.wait_indirect_dma semaphore(%arg11 : memref<!tpu.dma_semaphore, #tpu.memory_space<semaphore_mem>>) src(%dma_wait3A_674 : memref<10000x128xf32, #tpu.memory_space<hbm>>) dst(%dma_wait3A_668 : memref<128x128xf32, #tpu.memory_space<vmem>>)
      %dma_wait3A_675 = arith.constant 1 : i32
      %dma_wait3A_676 = arith.constant 5 : i32
      %dma_wait3A_677 = arith.constant 0 : i32
      %dma_wait3A_678 = arith.constant 0 : i32
      %dma_wait3A_679 = tpu.memref_slice %arg9[%dma_wait3A_675, %dma_wait3A_677, %dma_wait3A_678] : memref<2x128x128xf32, #tpu.memory_space<vmem>> -> memref<1x128x128xf32, #tpu.memory_space<vmem>>
      %dma_wait3A_680 = tpu.memref_squeeze %dma_wait3A_679 : memref<1x128x128xf32, #tpu.memory_space<vmem>> -> memref<128x128xf32, #tpu.memory_space<vmem>>
      %dma_wait3A_681 = arith.constant 0 : i32
      %dma_wait3A_682 = tpu.memref_slice %arg8[%dma_wait3A_676, %dma_wait3A_681] : memref<8x128xi32, #tpu.memory_space<vmem>> -> memref<1x128xi32, #tpu.memory_space<vmem>>
      %dma_wait3A_683 = tpu.memref_squeeze %dma_wait3A_682 : memref<1x128xi32, #tpu.memory_space<vmem>> -> memref<128xi32, #tpu.memory_space<vmem>>
      %dma_wait3A_684 = arith.constant 0 : i32
      %dma_wait3A_685 = arith.constant 0 : i32
      %dma_wait3A_686 = tpu.memref_slice %arg10[%dma_wait3A_684, %dma_wait3A_685] : memref<10112x128xf32, #tpu.memory_space<vmem_shared>> -> memref<10112x128xf32, #tpu.memory_space<vmem_shared>>
      tpu.wait_indirect_dma semaphore(%arg12 : memref<!tpu.dma_semaphore, #tpu.memory_space<semaphore_mem>>) src(%dma_wait3A_680 : memref<128x128xf32, #tpu.memory_space<vmem>>) dst(%dma_wait3A_686 : memref<10112x128xf32, #tpu.memory_space<vmem_shared>>)
      %add3A_687 = arith.constant 6 : i32
      %add3A_688 = arith.addi %add3A_352, %add3A_687 : i32
      %add3A_689 = arith.constant 1 : i32
      %add3A_690 = arith.addi %add3A_688, %add3A_689 : i32
      %dma_start3A_691 = arith.constant 1 : i32
      %dma_start3A_692 = arith.constant 0 : i32
      %dma_start3A_693 = arith.constant 0 : i32
      %dma_start3A_694 = tpu.memref_slice %arg9[%dma_start3A_691, %dma_start3A_692, %dma_start3A_693] : memref<2x128x128xf32, #tpu.memory_space<vmem>> -> memref<1x128x128xf32, #tpu.memory_space<vmem>>
      %dma_start3A_695 = tpu.memref_squeeze %dma_start3A_694 : memref<1x128x128xf32, #tpu.memory_space<vmem>> -> memref<128x128xf32, #tpu.memory_space<vmem>>
      %dma_start3A_696 = arith.constant 0 : i32
      %dma_start3A_697 = tpu.memref_slice %arg7[%add3A_690, %dma_start3A_696] : memref<79x128xi32, #tpu.memory_space<vmem>> -> memref<1x128xi32, #tpu.memory_space<vmem>>
      %dma_start3A_698 = tpu.memref_squeeze %dma_start3A_697 : memref<1x128xi32, #tpu.memory_space<vmem>> -> memref<128xi32, #tpu.memory_space<vmem>>
      %dma_start3A_699 = arith.constant 0 : i32
      %dma_start3A_700 = arith.constant 0 : i32
      %dma_start3A_701 = tpu.memref_slice %arg2[%dma_start3A_699, %dma_start3A_700] : memref<10000x128xf32, #tpu.memory_space<hbm>> -> memref<10000x128xf32, #tpu.memory_space<hbm>>
      tpu.enqueue_indirect_dma source(%dma_start3A_701 : memref<10000x128xf32, #tpu.memory_space<hbm>>) target(%dma_start3A_695 : memref<128x128xf32, #tpu.memory_space<vmem>>) offsets(%dma_start3A_698 : memref<128xi32, #tpu.memory_space<vmem>>) semaphore(%arg11 : memref<!tpu.dma_semaphore, #tpu.memory_space<semaphore_mem>>)
      %dma_start3A_702 = arith.constant 0 : i32
      %dma_start3A_703 = arith.constant 6 : i32
      %dma_start3A_704 = arith.constant 0 : i32
      %dma_start3A_705 = arith.constant 0 : i32
      %dma_start3A_706 = tpu.memref_slice %arg9[%dma_start3A_702, %dma_start3A_704, %dma_start3A_705] : memref<2x128x128xf32, #tpu.memory_space<vmem>> -> memref<1x128x128xf32, #tpu.memory_space<vmem>>
      %dma_start3A_707 = tpu.memref_squeeze %dma_start3A_706 : memref<1x128x128xf32, #tpu.memory_space<vmem>> -> memref<128x128xf32, #tpu.memory_space<vmem>>
      %dma_start3A_708 = arith.constant 0 : i32
      %dma_start3A_709 = tpu.memref_slice %arg8[%dma_start3A_703, %dma_start3A_708] : memref<8x128xi32, #tpu.memory_space<vmem>> -> memref<1x128xi32, #tpu.memory_space<vmem>>
      %dma_start3A_710 = tpu.memref_squeeze %dma_start3A_709 : memref<1x128xi32, #tpu.memory_space<vmem>> -> memref<128xi32, #tpu.memory_space<vmem>>
      %dma_start3A_711 = arith.constant 0 : i32
      %dma_start3A_712 = arith.constant 0 : i32
      %dma_start3A_713 = tpu.memref_slice %arg10[%dma_start3A_711, %dma_start3A_712] : memref<10112x128xf32, #tpu.memory_space<vmem_shared>> -> memref<10112x128xf32, #tpu.memory_space<vmem_shared>>
      tpu.enqueue_indirect_dma source(%dma_start3A_707 : memref<128x128xf32, #tpu.memory_space<vmem>>) target(%dma_start3A_713 : memref<10112x128xf32, #tpu.memory_space<vmem_shared>>) offsets(%dma_start3A_710 : memref<128xi32, #tpu.memory_space<vmem>>) semaphore(%arg12 : memref<!tpu.dma_semaphore, #tpu.memory_space<semaphore_mem>>) {add = true}
      %dma_wait3A_714 = arith.constant 1 : i32
      %dma_wait3A_715 = arith.constant 0 : i32
      %dma_wait3A_716 = arith.constant 0 : i32
      %dma_wait3A_717 = tpu.memref_slice %arg9[%dma_wait3A_714, %dma_wait3A_715, %dma_wait3A_716] : memref<2x128x128xf32, #tpu.memory_space<vmem>> -> memref<1x128x128xf32, #tpu.memory_space<vmem>>
      %dma_wait3A_718 = tpu.memref_squeeze %dma_wait3A_717 : memref<1x128x128xf32, #tpu.memory_space<vmem>> -> memref<128x128xf32, #tpu.memory_space<vmem>>
      %dma_wait3A_719 = arith.constant 0 : i32
      %dma_wait3A_720 = tpu.memref_slice %arg7[%add3A_690, %dma_wait3A_719] : memref<79x128xi32, #tpu.memory_space<vmem>> -> memref<1x128xi32, #tpu.memory_space<vmem>>
      %dma_wait3A_721 = tpu.memref_squeeze %dma_wait3A_720 : memref<1x128xi32, #tpu.memory_space<vmem>> -> memref<128xi32, #tpu.memory_space<vmem>>
      %dma_wait3A_722 = arith.constant 0 : i32
      %dma_wait3A_723 = arith.constant 0 : i32
      %dma_wait3A_724 = tpu.memref_slice %arg2[%dma_wait3A_722, %dma_wait3A_723] : memref<10000x128xf32, #tpu.memory_space<hbm>> -> memref<10000x128xf32, #tpu.memory_space<hbm>>
      tpu.wait_indirect_dma semaphore(%arg11 : memref<!tpu.dma_semaphore, #tpu.memory_space<semaphore_mem>>) src(%dma_wait3A_724 : memref<10000x128xf32, #tpu.memory_space<hbm>>) dst(%dma_wait3A_718 : memref<128x128xf32, #tpu.memory_space<vmem>>)
      %dma_wait3A_725 = arith.constant 0 : i32
      %dma_wait3A_726 = arith.constant 6 : i32
      %dma_wait3A_727 = arith.constant 0 : i32
      %dma_wait3A_728 = arith.constant 0 : i32
      %dma_wait3A_729 = tpu.memref_slice %arg9[%dma_wait3A_725, %dma_wait3A_727, %dma_wait3A_728] : memref<2x128x128xf32, #tpu.memory_space<vmem>> -> memref<1x128x128xf32, #tpu.memory_space<vmem>>
      %dma_wait3A_730 = tpu.memref_squeeze %dma_wait3A_729 : memref<1x128x128xf32, #tpu.memory_space<vmem>> -> memref<128x128xf32, #tpu.memory_space<vmem>>
      %dma_wait3A_731 = arith.constant 0 : i32
      %dma_wait3A_732 = tpu.memref_slice %arg8[%dma_wait3A_726, %dma_wait3A_731] : memref<8x128xi32, #tpu.memory_space<vmem>> -> memref<1x128xi32, #tpu.memory_space<vmem>>
      %dma_wait3A_733 = tpu.memref_squeeze %dma_wait3A_732 : memref<1x128xi32, #tpu.memory_space<vmem>> -> memref<128xi32, #tpu.memory_space<vmem>>
      %dma_wait3A_734 = arith.constant 0 : i32
      %dma_wait3A_735 = arith.constant 0 : i32
      %dma_wait3A_736 = tpu.memref_slice %arg10[%dma_wait3A_734, %dma_wait3A_735] : memref<10112x128xf32, #tpu.memory_space<vmem_shared>> -> memref<10112x128xf32, #tpu.memory_space<vmem_shared>>
      tpu.wait_indirect_dma semaphore(%arg12 : memref<!tpu.dma_semaphore, #tpu.memory_space<semaphore_mem>>) src(%dma_wait3A_730 : memref<128x128xf32, #tpu.memory_space<vmem>>) dst(%dma_wait3A_736 : memref<10112x128xf32, #tpu.memory_space<vmem_shared>>)
      %dma_start3A_737 = arith.constant 1 : i32
      %dma_start3A_738 = arith.constant 7 : i32
      %dma_start3A_739 = arith.constant 0 : i32
      %dma_start3A_740 = arith.constant 0 : i32
      %dma_start3A_741 = tpu.memref_slice %arg9[%dma_start3A_737, %dma_start3A_739, %dma_start3A_740] : memref<2x128x128xf32, #tpu.memory_space<vmem>> -> memref<1x128x128xf32, #tpu.memory_space<vmem>>
      %dma_start3A_742 = tpu.memref_squeeze %dma_start3A_741 : memref<1x128x128xf32, #tpu.memory_space<vmem>> -> memref<128x128xf32, #tpu.memory_space<vmem>>
      %dma_start3A_743 = arith.constant 0 : i32
      %dma_start3A_744 = tpu.memref_slice %arg8[%dma_start3A_738, %dma_start3A_743] : memref<8x128xi32, #tpu.memory_space<vmem>> -> memref<1x128xi32, #tpu.memory_space<vmem>>
      %dma_start3A_745 = tpu.memref_squeeze %dma_start3A_744 : memref<1x128xi32, #tpu.memory_space<vmem>> -> memref<128xi32, #tpu.memory_space<vmem>>
      %dma_start3A_746 = arith.constant 0 : i32
      %dma_start3A_747 = arith.constant 0 : i32
      %dma_start3A_748 = tpu.memref_slice %arg10[%dma_start3A_746, %dma_start3A_747] : memref<10112x128xf32, #tpu.memory_space<vmem_shared>> -> memref<10112x128xf32, #tpu.memory_space<vmem_shared>>
      tpu.enqueue_indirect_dma source(%dma_start3A_742 : memref<128x128xf32, #tpu.memory_space<vmem>>) target(%dma_start3A_748 : memref<10112x128xf32, #tpu.memory_space<vmem_shared>>) offsets(%dma_start3A_745 : memref<128xi32, #tpu.memory_space<vmem>>) semaphore(%arg12 : memref<!tpu.dma_semaphore, #tpu.memory_space<semaphore_mem>>) {add = true}
      %dma_wait3A_749 = arith.constant 1 : i32
      %dma_wait3A_750 = arith.constant 7 : i32
      %dma_wait3A_751 = arith.constant 0 : i32
      %dma_wait3A_752 = arith.constant 0 : i32
      %dma_wait3A_753 = tpu.memref_slice %arg9[%dma_wait3A_749, %dma_wait3A_751, %dma_wait3A_752] : memref<2x128x128xf32, #tpu.memory_space<vmem>> -> memref<1x128x128xf32, #tpu.memory_space<vmem>>
      %dma_wait3A_754 = tpu.memref_squeeze %dma_wait3A_753 : memref<1x128x128xf32, #tpu.memory_space<vmem>> -> memref<128x128xf32, #tpu.memory_space<vmem>>
      %dma_wait3A_755 = arith.constant 0 : i32
      %dma_wait3A_756 = tpu.memref_slice %arg8[%dma_wait3A_750, %dma_wait3A_755] : memref<8x128xi32, #tpu.memory_space<vmem>> -> memref<1x128xi32, #tpu.memory_space<vmem>>
      %dma_wait3A_757 = tpu.memref_squeeze %dma_wait3A_756 : memref<1x128xi32, #tpu.memory_space<vmem>> -> memref<128xi32, #tpu.memory_space<vmem>>
      %dma_wait3A_758 = arith.constant 0 : i32
      %dma_wait3A_759 = arith.constant 0 : i32
      %dma_wait3A_760 = tpu.memref_slice %arg10[%dma_wait3A_758, %dma_wait3A_759] : memref<10112x128xf32, #tpu.memory_space<vmem_shared>> -> memref<10112x128xf32, #tpu.memory_space<vmem_shared>>
      tpu.wait_indirect_dma semaphore(%arg12 : memref<!tpu.dma_semaphore, #tpu.memory_space<semaphore_mem>>) src(%dma_wait3A_754 : memref<128x128xf32, #tpu.memory_space<vmem>>) dst(%dma_wait3A_760 : memref<10112x128xf32, #tpu.memory_space<vmem_shared>>)
    }
    %scan3A_8 = arith.constant 9 : i32
    "tpu.region"() ({
      %run_scoped3A = tpu.sem_alloc : memref<!tpu.dma_semaphore, #tpu.memory_space<semaphore_mem>>
      %dma_start3A_348 = arith.constant 0 : i32
      %dma_start3A_349 = arith.constant 0 : i32
      %dma_start3A_350 = tpu.memref_slice %arg8[%dma_start3A_348, %dma_start3A_349] : memref<8x128xi32, #tpu.memory_space<vmem>> -> memref<7x128xi32, #tpu.memory_space<vmem>>
      %dma_start3A_351 = arith.constant 72 : i32
      %dma_start3A_352 = arith.constant 0 : i32
      %dma_start3A_353 = tpu.memref_slice %arg4[%add3A, %dma_start3A_351, %dma_start3A_352] : memref<32x79x128xi32, #tpu.memory_space<hbm>> -> memref<1x7x128xi32, #tpu.memory_space<hbm>>
      %dma_start3A_354 = tpu.memref_squeeze %dma_start3A_353 : memref<1x7x128xi32, #tpu.memory_space<hbm>> -> memref<7x128xi32, #tpu.memory_space<hbm>>
      %dma_start3A_355 = arith.constant 0 : i32
      %dma_start3A_356 = arith.constant 0 : i32
      %dma_start3A_357 = tpu.memref_slice %arg8[%dma_start3A_355, %dma_start3A_356] : memref<8x128xi32, #tpu.memory_space<vmem>> -> memref<7x128xi32, #tpu.memory_space<vmem>>
      %dma_start3A_358 = arith.constant 72 : i32
      %dma_start3A_359 = arith.constant 0 : i32
      %dma_start3A_360 = tpu.memref_slice %arg4[%add3A, %dma_start3A_358, %dma_start3A_359] : memref<32x79x128xi32, #tpu.memory_space<hbm>> -> memref<1x7x128xi32, #tpu.memory_space<hbm>>
      %dma_start3A_361 = tpu.memref_squeeze %dma_start3A_360 : memref<1x7x128xi32, #tpu.memory_space<hbm>> -> memref<7x128xi32, #tpu.memory_space<hbm>>
      tpu.enqueue_dma source(%dma_start3A_361 : memref<7x128xi32, #tpu.memory_space<hbm>>) target(%dma_start3A_357 : memref<7x128xi32, #tpu.memory_space<vmem>>) target_semaphore(%run_scoped3A : memref<!tpu.dma_semaphore, #tpu.memory_space<semaphore_mem>>)
      %dma_wait3A_362 = arith.constant 0 : i32
      %dma_wait3A_363 = arith.constant 0 : i32
      %dma_wait3A_364 = tpu.memref_slice %arg8[%dma_wait3A_362, %dma_wait3A_363] : memref<8x128xi32, #tpu.memory_space<vmem>> -> memref<7x128xi32, #tpu.memory_space<vmem>>
      %dma_wait3A_365 = arith.constant 72 : i32
      %dma_wait3A_366 = arith.constant 0 : i32
      %dma_wait3A_367 = tpu.memref_slice %arg4[%add3A, %dma_wait3A_365, %dma_wait3A_366] : memref<32x79x128xi32, #tpu.memory_space<hbm>> -> memref<1x7x128xi32, #tpu.memory_space<hbm>>
      %dma_wait3A_368 = tpu.memref_squeeze %dma_wait3A_367 : memref<1x7x128xi32, #tpu.memory_space<hbm>> -> memref<7x128xi32, #tpu.memory_space<hbm>>
      %dma_wait3A_369 = arith.constant 0 : i32
      %dma_wait3A_370 = arith.constant 0 : i32
      %dma_wait3A_371 = tpu.memref_slice %arg8[%dma_wait3A_369, %dma_wait3A_370] : memref<8x128xi32, #tpu.memory_space<vmem>> -> memref<7x128xi32, #tpu.memory_space<vmem>>
      %dma_wait3A_372 = arith.constant 72 : i32
      %dma_wait3A_373 = arith.constant 0 : i32
      %dma_wait3A_374 = tpu.memref_slice %arg4[%add3A, %dma_wait3A_372, %dma_wait3A_373] : memref<32x79x128xi32, #tpu.memory_space<hbm>> -> memref<1x7x128xi32, #tpu.memory_space<hbm>>
      %dma_wait3A_375 = tpu.memref_squeeze %dma_wait3A_374 : memref<1x7x128xi32, #tpu.memory_space<hbm>> -> memref<7x128xi32, #tpu.memory_space<hbm>>
      tpu.wait_dma2 semaphore(%run_scoped3A : memref<!tpu.dma_semaphore, #tpu.memory_space<semaphore_mem>>) src(%dma_wait3A_375 : memref<7x128xi32, #tpu.memory_space<hbm>>) dst(%dma_wait3A_371 : memref<7x128xi32, #tpu.memory_space<vmem>>)
      tpu.yield
    }) : () -> ()
    %dma_start3A = arith.constant 72 : i32
    %dma_start3A_9 = arith.constant 0 : i32
    %dma_start3A_10 = arith.constant 0 : i32
    %dma_start3A_11 = arith.constant 0 : i32
    %dma_start3A_12 = tpu.memref_slice %arg9[%dma_start3A_9, %dma_start3A_10, %dma_start3A_11] : memref<2x128x128xf32, #tpu.memory_space<vmem>> -> memref<1x128x128xf32, #tpu.memory_space<vmem>>
    %dma_start3A_13 = tpu.memref_squeeze %dma_start3A_12 : memref<1x128x128xf32, #tpu.memory_space<vmem>> -> memref<128x128xf32, #tpu.memory_space<vmem>>
    %dma_start3A_14 = arith.constant 0 : i32
    %dma_start3A_15 = tpu.memref_slice %arg7[%dma_start3A, %dma_start3A_14] : memref<79x128xi32, #tpu.memory_space<vmem>> -> memref<1x128xi32, #tpu.memory_space<vmem>>
    %dma_start3A_16 = tpu.memref_squeeze %dma_start3A_15 : memref<1x128xi32, #tpu.memory_space<vmem>> -> memref<128xi32, #tpu.memory_space<vmem>>
    %dma_start3A_17 = arith.constant 0 : i32
    %dma_start3A_18 = arith.constant 0 : i32
    %dma_start3A_19 = tpu.memref_slice %arg2[%dma_start3A_17, %dma_start3A_18] : memref<10000x128xf32, #tpu.memory_space<hbm>> -> memref<10000x128xf32, #tpu.memory_space<hbm>>
    tpu.enqueue_indirect_dma source(%dma_start3A_19 : memref<10000x128xf32, #tpu.memory_space<hbm>>) target(%dma_start3A_13 : memref<128x128xf32, #tpu.memory_space<vmem>>) offsets(%dma_start3A_16 : memref<128xi32, #tpu.memory_space<vmem>>) semaphore(%arg11 : memref<!tpu.dma_semaphore, #tpu.memory_space<semaphore_mem>>)
    %dma_wait3A = arith.constant 72 : i32
    %dma_wait3A_20 = arith.constant 0 : i32
    %dma_wait3A_21 = arith.constant 0 : i32
    %dma_wait3A_22 = arith.constant 0 : i32
    %dma_wait3A_23 = tpu.memref_slice %arg9[%dma_wait3A_20, %dma_wait3A_21, %dma_wait3A_22] : memref<2x128x128xf32, #tpu.memory_space<vmem>> -> memref<1x128x128xf32, #tpu.memory_space<vmem>>
    %dma_wait3A_24 = tpu.memref_squeeze %dma_wait3A_23 : memref<1x128x128xf32, #tpu.memory_space<vmem>> -> memref<128x128xf32, #tpu.memory_space<vmem>>
    %dma_wait3A_25 = arith.constant 0 : i32
    %dma_wait3A_26 = tpu.memref_slice %arg7[%dma_wait3A, %dma_wait3A_25] : memref<79x128xi32, #tpu.memory_space<vmem>> -> memref<1x128xi32, #tpu.memory_space<vmem>>
    %dma_wait3A_27 = tpu.memref_squeeze %dma_wait3A_26 : memref<1x128xi32, #tpu.memory_space<vmem>> -> memref<128xi32, #tpu.memory_space<vmem>>
    %dma_wait3A_28 = arith.constant 0 : i32
    %dma_wait3A_29 = arith.constant 0 : i32
    %dma_wait3A_30 = tpu.memref_slice %arg2[%dma_wait3A_28, %dma_wait3A_29] : memref<10000x128xf32, #tpu.memory_space<hbm>> -> memref<10000x128xf32, #tpu.memory_space<hbm>>
    tpu.wait_indirect_dma semaphore(%arg11 : memref<!tpu.dma_semaphore, #tpu.memory_space<semaphore_mem>>) src(%dma_wait3A_30 : memref<10000x128xf32, #tpu.memory_space<hbm>>) dst(%dma_wait3A_24 : memref<128x128xf32, #tpu.memory_space<vmem>>)
    %dma_start3A_31 = arith.constant 0 : i32
    %dma_start3A_32 = arith.constant 0 : i32
    %dma_start3A_33 = arith.constant 0 : i32
    %dma_start3A_34 = arith.constant 0 : i32
    %dma_start3A_35 = tpu.memref_slice %arg9[%dma_start3A_31, %dma_start3A_33, %dma_start3A_34] : memref<2x128x128xf32, #tpu.memory_space<vmem>> -> memref<1x128x128xf32, #tpu.memory_space<vmem>>
    %dma_start3A_36 = tpu.memref_squeeze %dma_start3A_35 : memref<1x128x128xf32, #tpu.memory_space<vmem>> -> memref<128x128xf32, #tpu.memory_space<vmem>>
    %dma_start3A_37 = arith.constant 0 : i32
    %dma_start3A_38 = tpu.memref_slice %arg8[%dma_start3A_32, %dma_start3A_37] : memref<8x128xi32, #tpu.memory_space<vmem>> -> memref<1x128xi32, #tpu.memory_space<vmem>>
    %dma_start3A_39 = tpu.memref_squeeze %dma_start3A_38 : memref<1x128xi32, #tpu.memory_space<vmem>> -> memref<128xi32, #tpu.memory_space<vmem>>
    %dma_start3A_40 = arith.constant 0 : i32
    %dma_start3A_41 = arith.constant 0 : i32
    %dma_start3A_42 = tpu.memref_slice %arg10[%dma_start3A_40, %dma_start3A_41] : memref<10112x128xf32, #tpu.memory_space<vmem_shared>> -> memref<10112x128xf32, #tpu.memory_space<vmem_shared>>
    tpu.enqueue_indirect_dma source(%dma_start3A_36 : memref<128x128xf32, #tpu.memory_space<vmem>>) target(%dma_start3A_42 : memref<10112x128xf32, #tpu.memory_space<vmem_shared>>) offsets(%dma_start3A_39 : memref<128xi32, #tpu.memory_space<vmem>>) semaphore(%arg12 : memref<!tpu.dma_semaphore, #tpu.memory_space<semaphore_mem>>) {add = true}
    %dma_wait3A_43 = arith.constant 0 : i32
    %dma_wait3A_44 = arith.constant 0 : i32
    %dma_wait3A_45 = arith.constant 0 : i32
    %dma_wait3A_46 = arith.constant 0 : i32
    %dma_wait3A_47 = tpu.memref_slice %arg9[%dma_wait3A_43, %dma_wait3A_45, %dma_wait3A_46] : memref<2x128x128xf32, #tpu.memory_space<vmem>> -> memref<1x128x128xf32, #tpu.memory_space<vmem>>
    %dma_wait3A_48 = tpu.memref_squeeze %dma_wait3A_47 : memref<1x128x128xf32, #tpu.memory_space<vmem>> -> memref<128x128xf32, #tpu.memory_space<vmem>>
    %dma_wait3A_49 = arith.constant 0 : i32
    %dma_wait3A_50 = tpu.memref_slice %arg8[%dma_wait3A_44, %dma_wait3A_49] : memref<8x128xi32, #tpu.memory_space<vmem>> -> memref<1x128xi32, #tpu.memory_space<vmem>>
    %dma_wait3A_51 = tpu.memref_squeeze %dma_wait3A_50 : memref<1x128xi32, #tpu.memory_space<vmem>> -> memref<128xi32, #tpu.memory_space<vmem>>
    %dma_wait3A_52 = arith.constant 0 : i32
    %dma_wait3A_53 = arith.constant 0 : i32
    %dma_wait3A_54 = tpu.memref_slice %arg10[%dma_wait3A_52, %dma_wait3A_53] : memref<10112x128xf32, #tpu.memory_space<vmem_shared>> -> memref<10112x128xf32, #tpu.memory_space<vmem_shared>>
    tpu.wait_indirect_dma semaphore(%arg12 : memref<!tpu.dma_semaphore, #tpu.memory_space<semaphore_mem>>) src(%dma_wait3A_48 : memref<128x128xf32, #tpu.memory_space<vmem>>) dst(%dma_wait3A_54 : memref<10112x128xf32, #tpu.memory_space<vmem_shared>>)
    %dma_start3A_55 = arith.constant 73 : i32
    %dma_start3A_56 = arith.constant 1 : i32
    %dma_start3A_57 = arith.constant 0 : i32
    %dma_start3A_58 = arith.constant 0 : i32
    %dma_start3A_59 = tpu.memref_slice %arg9[%dma_start3A_56, %dma_start3A_57, %dma_start3A_58] : memref<2x128x128xf32, #tpu.memory_space<vmem>> -> memref<1x128x128xf32, #tpu.memory_space<vmem>>
    %dma_start3A_60 = tpu.memref_squeeze %dma_start3A_59 : memref<1x128x128xf32, #tpu.memory_space<vmem>> -> memref<128x128xf32, #tpu.memory_space<vmem>>
    %dma_start3A_61 = arith.constant 0 : i32
    %dma_start3A_62 = tpu.memref_slice %arg7[%dma_start3A_55, %dma_start3A_61] : memref<79x128xi32, #tpu.memory_space<vmem>> -> memref<1x128xi32, #tpu.memory_space<vmem>>
    %dma_start3A_63 = tpu.memref_squeeze %dma_start3A_62 : memref<1x128xi32, #tpu.memory_space<vmem>> -> memref<128xi32, #tpu.memory_space<vmem>>
    %dma_start3A_64 = arith.constant 0 : i32
    %dma_start3A_65 = arith.constant 0 : i32
    %dma_start3A_66 = tpu.memref_slice %arg2[%dma_start3A_64, %dma_start3A_65] : memref<10000x128xf32, #tpu.memory_space<hbm>> -> memref<10000x128xf32, #tpu.memory_space<hbm>>
    tpu.enqueue_indirect_dma source(%dma_start3A_66 : memref<10000x128xf32, #tpu.memory_space<hbm>>) target(%dma_start3A_60 : memref<128x128xf32, #tpu.memory_space<vmem>>) offsets(%dma_start3A_63 : memref<128xi32, #tpu.memory_space<vmem>>) semaphore(%arg11 : memref<!tpu.dma_semaphore, #tpu.memory_space<semaphore_mem>>)
    %dma_wait3A_67 = arith.constant 73 : i32
    %dma_wait3A_68 = arith.constant 1 : i32
    %dma_wait3A_69 = arith.constant 0 : i32
    %dma_wait3A_70 = arith.constant 0 : i32
    %dma_wait3A_71 = tpu.memref_slice %arg9[%dma_wait3A_68, %dma_wait3A_69, %dma_wait3A_70] : memref<2x128x128xf32, #tpu.memory_space<vmem>> -> memref<1x128x128xf32, #tpu.memory_space<vmem>>
    %dma_wait3A_72 = tpu.memref_squeeze %dma_wait3A_71 : memref<1x128x128xf32, #tpu.memory_space<vmem>> -> memref<128x128xf32, #tpu.memory_space<vmem>>
    %dma_wait3A_73 = arith.constant 0 : i32
    %dma_wait3A_74 = tpu.memref_slice %arg7[%dma_wait3A_67, %dma_wait3A_73] : memref<79x128xi32, #tpu.memory_space<vmem>> -> memref<1x128xi32, #tpu.memory_space<vmem>>
    %dma_wait3A_75 = tpu.memref_squeeze %dma_wait3A_74 : memref<1x128xi32, #tpu.memory_space<vmem>> -> memref<128xi32, #tpu.memory_space<vmem>>
    %dma_wait3A_76 = arith.constant 0 : i32
    %dma_wait3A_77 = arith.constant 0 : i32
    %dma_wait3A_78 = tpu.memref_slice %arg2[%dma_wait3A_76, %dma_wait3A_77] : memref<10000x128xf32, #tpu.memory_space<hbm>> -> memref<10000x128xf32, #tpu.memory_space<hbm>>
    tpu.wait_indirect_dma semaphore(%arg11 : memref<!tpu.dma_semaphore, #tpu.memory_space<semaphore_mem>>) src(%dma_wait3A_78 : memref<10000x128xf32, #tpu.memory_space<hbm>>) dst(%dma_wait3A_72 : memref<128x128xf32, #tpu.memory_space<vmem>>)
    %dma_start3A_79 = arith.constant 1 : i32
    %dma_start3A_80 = arith.constant 1 : i32
    %dma_start3A_81 = arith.constant 0 : i32
    %dma_start3A_82 = arith.constant 0 : i32
    %dma_start3A_83 = tpu.memref_slice %arg9[%dma_start3A_79, %dma_start3A_81, %dma_start3A_82] : memref<2x128x128xf32, #tpu.memory_space<vmem>> -> memref<1x128x128xf32, #tpu.memory_space<vmem>>
    %dma_start3A_84 = tpu.memref_squeeze %dma_start3A_83 : memref<1x128x128xf32, #tpu.memory_space<vmem>> -> memref<128x128xf32, #tpu.memory_space<vmem>>
    %dma_start3A_85 = arith.constant 0 : i32
    %dma_start3A_86 = tpu.memref_slice %arg8[%dma_start3A_80, %dma_start3A_85] : memref<8x128xi32, #tpu.memory_space<vmem>> -> memref<1x128xi32, #tpu.memory_space<vmem>>
    %dma_start3A_87 = tpu.memref_squeeze %dma_start3A_86 : memref<1x128xi32, #tpu.memory_space<vmem>> -> memref<128xi32, #tpu.memory_space<vmem>>
    %dma_start3A_88 = arith.constant 0 : i32
    %dma_start3A_89 = arith.constant 0 : i32
    %dma_start3A_90 = tpu.memref_slice %arg10[%dma_start3A_88, %dma_start3A_89] : memref<10112x128xf32, #tpu.memory_space<vmem_shared>> -> memref<10112x128xf32, #tpu.memory_space<vmem_shared>>
    tpu.enqueue_indirect_dma source(%dma_start3A_84 : memref<128x128xf32, #tpu.memory_space<vmem>>) target(%dma_start3A_90 : memref<10112x128xf32, #tpu.memory_space<vmem_shared>>) offsets(%dma_start3A_87 : memref<128xi32, #tpu.memory_space<vmem>>) semaphore(%arg12 : memref<!tpu.dma_semaphore, #tpu.memory_space<semaphore_mem>>) {add = true}
    %dma_wait3A_91 = arith.constant 1 : i32
    %dma_wait3A_92 = arith.constant 1 : i32
    %dma_wait3A_93 = arith.constant 0 : i32
    %dma_wait3A_94 = arith.constant 0 : i32
    %dma_wait3A_95 = tpu.memref_slice %arg9[%dma_wait3A_91, %dma_wait3A_93, %dma_wait3A_94] : memref<2x128x128xf32, #tpu.memory_space<vmem>> -> memref<1x128x128xf32, #tpu.memory_space<vmem>>
    %dma_wait3A_96 = tpu.memref_squeeze %dma_wait3A_95 : memref<1x128x128xf32, #tpu.memory_space<vmem>> -> memref<128x128xf32, #tpu.memory_space<vmem>>
    %dma_wait3A_97 = arith.constant 0 : i32
    %dma_wait3A_98 = tpu.memref_slice %arg8[%dma_wait3A_92, %dma_wait3A_97] : memref<8x128xi32, #tpu.memory_space<vmem>> -> memref<1x128xi32, #tpu.memory_space<vmem>>
    %dma_wait3A_99 = tpu.memref_squeeze %dma_wait3A_98 : memref<1x128xi32, #tpu.memory_space<vmem>> -> memref<128xi32, #tpu.memory_space<vmem>>
    %dma_wait3A_100 = arith.constant 0 : i32
    %dma_wait3A_101 = arith.constant 0 : i32
    %dma_wait3A_102 = tpu.memref_slice %arg10[%dma_wait3A_100, %dma_wait3A_101] : memref<10112x128xf32, #tpu.memory_space<vmem_shared>> -> memref<10112x128xf32, #tpu.memory_space<vmem_shared>>
    tpu.wait_indirect_dma semaphore(%arg12 : memref<!tpu.dma_semaphore, #tpu.memory_space<semaphore_mem>>) src(%dma_wait3A_96 : memref<128x128xf32, #tpu.memory_space<vmem>>) dst(%dma_wait3A_102 : memref<10112x128xf32, #tpu.memory_space<vmem_shared>>)
    %dma_start3A_103 = arith.constant 74 : i32
    %dma_start3A_104 = arith.constant 0 : i32
    %dma_start3A_105 = arith.constant 0 : i32
    %dma_start3A_106 = arith.constant 0 : i32
    %dma_start3A_107 = tpu.memref_slice %arg9[%dma_start3A_104, %dma_start3A_105, %dma_start3A_106] : memref<2x128x128xf32, #tpu.memory_space<vmem>> -> memref<1x128x128xf32, #tpu.memory_space<vmem>>
    %dma_start3A_108 = tpu.memref_squeeze %dma_start3A_107 : memref<1x128x128xf32, #tpu.memory_space<vmem>> -> memref<128x128xf32, #tpu.memory_space<vmem>>
    %dma_start3A_109 = arith.constant 0 : i32
    %dma_start3A_110 = tpu.memref_slice %arg7[%dma_start3A_103, %dma_start3A_109] : memref<79x128xi32, #tpu.memory_space<vmem>> -> memref<1x128xi32, #tpu.memory_space<vmem>>
    %dma_start3A_111 = tpu.memref_squeeze %dma_start3A_110 : memref<1x128xi32, #tpu.memory_space<vmem>> -> memref<128xi32, #tpu.memory_space<vmem>>
    %dma_start3A_112 = arith.constant 0 : i32
    %dma_start3A_113 = arith.constant 0 : i32
    %dma_start3A_114 = tpu.memref_slice %arg2[%dma_start3A_112, %dma_start3A_113] : memref<10000x128xf32, #tpu.memory_space<hbm>> -> memref<10000x128xf32, #tpu.memory_space<hbm>>
    tpu.enqueue_indirect_dma source(%dma_start3A_114 : memref<10000x128xf32, #tpu.memory_space<hbm>>) target(%dma_start3A_108 : memref<128x128xf32, #tpu.memory_space<vmem>>) offsets(%dma_start3A_111 : memref<128xi32, #tpu.memory_space<vmem>>) semaphore(%arg11 : memref<!tpu.dma_semaphore, #tpu.memory_space<semaphore_mem>>)
    %dma_wait3A_115 = arith.constant 74 : i32
    %dma_wait3A_116 = arith.constant 0 : i32
    %dma_wait3A_117 = arith.constant 0 : i32
    %dma_wait3A_118 = arith.constant 0 : i32
    %dma_wait3A_119 = tpu.memref_slice %arg9[%dma_wait3A_116, %dma_wait3A_117, %dma_wait3A_118] : memref<2x128x128xf32, #tpu.memory_space<vmem>> -> memref<1x128x128xf32, #tpu.memory_space<vmem>>
    %dma_wait3A_120 = tpu.memref_squeeze %dma_wait3A_119 : memref<1x128x128xf32, #tpu.memory_space<vmem>> -> memref<128x128xf32, #tpu.memory_space<vmem>>
    %dma_wait3A_121 = arith.constant 0 : i32
    %dma_wait3A_122 = tpu.memref_slice %arg7[%dma_wait3A_115, %dma_wait3A_121] : memref<79x128xi32, #tpu.memory_space<vmem>> -> memref<1x128xi32, #tpu.memory_space<vmem>>
    %dma_wait3A_123 = tpu.memref_squeeze %dma_wait3A_122 : memref<1x128xi32, #tpu.memory_space<vmem>> -> memref<128xi32, #tpu.memory_space<vmem>>
    %dma_wait3A_124 = arith.constant 0 : i32
    %dma_wait3A_125 = arith.constant 0 : i32
    %dma_wait3A_126 = tpu.memref_slice %arg2[%dma_wait3A_124, %dma_wait3A_125] : memref<10000x128xf32, #tpu.memory_space<hbm>> -> memref<10000x128xf32, #tpu.memory_space<hbm>>
    tpu.wait_indirect_dma semaphore(%arg11 : memref<!tpu.dma_semaphore, #tpu.memory_space<semaphore_mem>>) src(%dma_wait3A_126 : memref<10000x128xf32, #tpu.memory_space<hbm>>) dst(%dma_wait3A_120 : memref<128x128xf32, #tpu.memory_space<vmem>>)
    %dma_start3A_127 = arith.constant 0 : i32
    %dma_start3A_128 = arith.constant 2 : i32
    %dma_start3A_129 = arith.constant 0 : i32
    %dma_start3A_130 = arith.constant 0 : i32
    %dma_start3A_131 = tpu.memref_slice %arg9[%dma_start3A_127, %dma_start3A_129, %dma_start3A_130] : memref<2x128x128xf32, #tpu.memory_space<vmem>> -> memref<1x128x128xf32, #tpu.memory_space<vmem>>
    %dma_start3A_132 = tpu.memref_squeeze %dma_start3A_131 : memref<1x128x128xf32, #tpu.memory_space<vmem>> -> memref<128x128xf32, #tpu.memory_space<vmem>>
    %dma_start3A_133 = arith.constant 0 : i32
    %dma_start3A_134 = tpu.memref_slice %arg8[%dma_start3A_128, %dma_start3A_133] : memref<8x128xi32, #tpu.memory_space<vmem>> -> memref<1x128xi32, #tpu.memory_space<vmem>>
    %dma_start3A_135 = tpu.memref_squeeze %dma_start3A_134 : memref<1x128xi32, #tpu.memory_space<vmem>> -> memref<128xi32, #tpu.memory_space<vmem>>
    %dma_start3A_136 = arith.constant 0 : i32
    %dma_start3A_137 = arith.constant 0 : i32
    %dma_start3A_138 = tpu.memref_slice %arg10[%dma_start3A_136, %dma_start3A_137] : memref<10112x128xf32, #tpu.memory_space<vmem_shared>> -> memref<10112x128xf32, #tpu.memory_space<vmem_shared>>
    tpu.enqueue_indirect_dma source(%dma_start3A_132 : memref<128x128xf32, #tpu.memory_space<vmem>>) target(%dma_start3A_138 : memref<10112x128xf32, #tpu.memory_space<vmem_shared>>) offsets(%dma_start3A_135 : memref<128xi32, #tpu.memory_space<vmem>>) semaphore(%arg12 : memref<!tpu.dma_semaphore, #tpu.memory_space<semaphore_mem>>) {add = true}
    %dma_wait3A_139 = arith.constant 0 : i32
    %dma_wait3A_140 = arith.constant 2 : i32
    %dma_wait3A_141 = arith.constant 0 : i32
    %dma_wait3A_142 = arith.constant 0 : i32
    %dma_wait3A_143 = tpu.memref_slice %arg9[%dma_wait3A_139, %dma_wait3A_141, %dma_wait3A_142] : memref<2x128x128xf32, #tpu.memory_space<vmem>> -> memref<1x128x128xf32, #tpu.memory_space<vmem>>
    %dma_wait3A_144 = tpu.memref_squeeze %dma_wait3A_143 : memref<1x128x128xf32, #tpu.memory_space<vmem>> -> memref<128x128xf32, #tpu.memory_space<vmem>>
    %dma_wait3A_145 = arith.constant 0 : i32
    %dma_wait3A_146 = tpu.memref_slice %arg8[%dma_wait3A_140, %dma_wait3A_145] : memref<8x128xi32, #tpu.memory_space<vmem>> -> memref<1x128xi32, #tpu.memory_space<vmem>>
    %dma_wait3A_147 = tpu.memref_squeeze %dma_wait3A_146 : memref<1x128xi32, #tpu.memory_space<vmem>> -> memref<128xi32, #tpu.memory_space<vmem>>
    %dma_wait3A_148 = arith.constant 0 : i32
    %dma_wait3A_149 = arith.constant 0 : i32
    %dma_wait3A_150 = tpu.memref_slice %arg10[%dma_wait3A_148, %dma_wait3A_149] : memref<10112x128xf32, #tpu.memory_space<vmem_shared>> -> memref<10112x128xf32, #tpu.memory_space<vmem_shared>>
    tpu.wait_indirect_dma semaphore(%arg12 : memref<!tpu.dma_semaphore, #tpu.memory_space<semaphore_mem>>) src(%dma_wait3A_144 : memref<128x128xf32, #tpu.memory_space<vmem>>) dst(%dma_wait3A_150 : memref<10112x128xf32, #tpu.memory_space<vmem_shared>>)
    %dma_start3A_151 = arith.constant 75 : i32
    %dma_start3A_152 = arith.constant 1 : i32
    %dma_start3A_153 = arith.constant 0 : i32
    %dma_start3A_154 = arith.constant 0 : i32
    %dma_start3A_155 = tpu.memref_slice %arg9[%dma_start3A_152, %dma_start3A_153, %dma_start3A_154] : memref<2x128x128xf32, #tpu.memory_space<vmem>> -> memref<1x128x128xf32, #tpu.memory_space<vmem>>
    %dma_start3A_156 = tpu.memref_squeeze %dma_start3A_155 : memref<1x128x128xf32, #tpu.memory_space<vmem>> -> memref<128x128xf32, #tpu.memory_space<vmem>>
    %dma_start3A_157 = arith.constant 0 : i32
    %dma_start3A_158 = tpu.memref_slice %arg7[%dma_start3A_151, %dma_start3A_157] : memref<79x128xi32, #tpu.memory_space<vmem>> -> memref<1x128xi32, #tpu.memory_space<vmem>>
    %dma_start3A_159 = tpu.memref_squeeze %dma_start3A_158 : memref<1x128xi32, #tpu.memory_space<vmem>> -> memref<128xi32, #tpu.memory_space<vmem>>
    %dma_start3A_160 = arith.constant 0 : i32
    %dma_start3A_161 = arith.constant 0 : i32
    %dma_start3A_162 = tpu.memref_slice %arg2[%dma_start3A_160, %dma_start3A_161] : memref<10000x128xf32, #tpu.memory_space<hbm>> -> memref<10000x128xf32, #tpu.memory_space<hbm>>
    tpu.enqueue_indirect_dma source(%dma_start3A_162 : memref<10000x128xf32, #tpu.memory_space<hbm>>) target(%dma_start3A_156 : memref<128x128xf32, #tpu.memory_space<vmem>>) offsets(%dma_start3A_159 : memref<128xi32, #tpu.memory_space<vmem>>) semaphore(%arg11 : memref<!tpu.dma_semaphore, #tpu.memory_space<semaphore_mem>>)
    %dma_wait3A_163 = arith.constant 75 : i32
    %dma_wait3A_164 = arith.constant 1 : i32
    %dma_wait3A_165 = arith.constant 0 : i32
    %dma_wait3A_166 = arith.constant 0 : i32
    %dma_wait3A_167 = tpu.memref_slice %arg9[%dma_wait3A_164, %dma_wait3A_165, %dma_wait3A_166] : memref<2x128x128xf32, #tpu.memory_space<vmem>> -> memref<1x128x128xf32, #tpu.memory_space<vmem>>
    %dma_wait3A_168 = tpu.memref_squeeze %dma_wait3A_167 : memref<1x128x128xf32, #tpu.memory_space<vmem>> -> memref<128x128xf32, #tpu.memory_space<vmem>>
    %dma_wait3A_169 = arith.constant 0 : i32
    %dma_wait3A_170 = tpu.memref_slice %arg7[%dma_wait3A_163, %dma_wait3A_169] : memref<79x128xi32, #tpu.memory_space<vmem>> -> memref<1x128xi32, #tpu.memory_space<vmem>>
    %dma_wait3A_171 = tpu.memref_squeeze %dma_wait3A_170 : memref<1x128xi32, #tpu.memory_space<vmem>> -> memref<128xi32, #tpu.memory_space<vmem>>
    %dma_wait3A_172 = arith.constant 0 : i32
    %dma_wait3A_173 = arith.constant 0 : i32
    %dma_wait3A_174 = tpu.memref_slice %arg2[%dma_wait3A_172, %dma_wait3A_173] : memref<10000x128xf32, #tpu.memory_space<hbm>> -> memref<10000x128xf32, #tpu.memory_space<hbm>>
    tpu.wait_indirect_dma semaphore(%arg11 : memref<!tpu.dma_semaphore, #tpu.memory_space<semaphore_mem>>) src(%dma_wait3A_174 : memref<10000x128xf32, #tpu.memory_space<hbm>>) dst(%dma_wait3A_168 : memref<128x128xf32, #tpu.memory_space<vmem>>)
    %dma_start3A_175 = arith.constant 1 : i32
    %dma_start3A_176 = arith.constant 3 : i32
    %dma_start3A_177 = arith.constant 0 : i32
    %dma_start3A_178 = arith.constant 0 : i32
    %dma_start3A_179 = tpu.memref_slice %arg9[%dma_start3A_175, %dma_start3A_177, %dma_start3A_178] : memref<2x128x128xf32, #tpu.memory_space<vmem>> -> memref<1x128x128xf32, #tpu.memory_space<vmem>>
    %dma_start3A_180 = tpu.memref_squeeze %dma_start3A_179 : memref<1x128x128xf32, #tpu.memory_space<vmem>> -> memref<128x128xf32, #tpu.memory_space<vmem>>
    %dma_start3A_181 = arith.constant 0 : i32
    %dma_start3A_182 = tpu.memref_slice %arg8[%dma_start3A_176, %dma_start3A_181] : memref<8x128xi32, #tpu.memory_space<vmem>> -> memref<1x128xi32, #tpu.memory_space<vmem>>
    %dma_start3A_183 = tpu.memref_squeeze %dma_start3A_182 : memref<1x128xi32, #tpu.memory_space<vmem>> -> memref<128xi32, #tpu.memory_space<vmem>>
    %dma_start3A_184 = arith.constant 0 : i32
    %dma_start3A_185 = arith.constant 0 : i32
    %dma_start3A_186 = tpu.memref_slice %arg10[%dma_start3A_184, %dma_start3A_185] : memref<10112x128xf32, #tpu.memory_space<vmem_shared>> -> memref<10112x128xf32, #tpu.memory_space<vmem_shared>>
    tpu.enqueue_indirect_dma source(%dma_start3A_180 : memref<128x128xf32, #tpu.memory_space<vmem>>) target(%dma_start3A_186 : memref<10112x128xf32, #tpu.memory_space<vmem_shared>>) offsets(%dma_start3A_183 : memref<128xi32, #tpu.memory_space<vmem>>) semaphore(%arg12 : memref<!tpu.dma_semaphore, #tpu.memory_space<semaphore_mem>>) {add = true}
    %dma_wait3A_187 = arith.constant 1 : i32
    %dma_wait3A_188 = arith.constant 3 : i32
    %dma_wait3A_189 = arith.constant 0 : i32
    %dma_wait3A_190 = arith.constant 0 : i32
    %dma_wait3A_191 = tpu.memref_slice %arg9[%dma_wait3A_187, %dma_wait3A_189, %dma_wait3A_190] : memref<2x128x128xf32, #tpu.memory_space<vmem>> -> memref<1x128x128xf32, #tpu.memory_space<vmem>>
    %dma_wait3A_192 = tpu.memref_squeeze %dma_wait3A_191 : memref<1x128x128xf32, #tpu.memory_space<vmem>> -> memref<128x128xf32, #tpu.memory_space<vmem>>
    %dma_wait3A_193 = arith.constant 0 : i32
    %dma_wait3A_194 = tpu.memref_slice %arg8[%dma_wait3A_188, %dma_wait3A_193] : memref<8x128xi32, #tpu.memory_space<vmem>> -> memref<1x128xi32, #tpu.memory_space<vmem>>
    %dma_wait3A_195 = tpu.memref_squeeze %dma_wait3A_194 : memref<1x128xi32, #tpu.memory_space<vmem>> -> memref<128xi32, #tpu.memory_space<vmem>>
    %dma_wait3A_196 = arith.constant 0 : i32
    %dma_wait3A_197 = arith.constant 0 : i32
    %dma_wait3A_198 = tpu.memref_slice %arg10[%dma_wait3A_196, %dma_wait3A_197] : memref<10112x128xf32, #tpu.memory_space<vmem_shared>> -> memref<10112x128xf32, #tpu.memory_space<vmem_shared>>
    tpu.wait_indirect_dma semaphore(%arg12 : memref<!tpu.dma_semaphore, #tpu.memory_space<semaphore_mem>>) src(%dma_wait3A_192 : memref<128x128xf32, #tpu.memory_space<vmem>>) dst(%dma_wait3A_198 : memref<10112x128xf32, #tpu.memory_space<vmem_shared>>)
    %dma_start3A_199 = arith.constant 76 : i32
    %dma_start3A_200 = arith.constant 0 : i32
    %dma_start3A_201 = arith.constant 0 : i32
    %dma_start3A_202 = arith.constant 0 : i32
    %dma_start3A_203 = tpu.memref_slice %arg9[%dma_start3A_200, %dma_start3A_201, %dma_start3A_202] : memref<2x128x128xf32, #tpu.memory_space<vmem>> -> memref<1x128x128xf32, #tpu.memory_space<vmem>>
    %dma_start3A_204 = tpu.memref_squeeze %dma_start3A_203 : memref<1x128x128xf32, #tpu.memory_space<vmem>> -> memref<128x128xf32, #tpu.memory_space<vmem>>
    %dma_start3A_205 = arith.constant 0 : i32
    %dma_start3A_206 = tpu.memref_slice %arg7[%dma_start3A_199, %dma_start3A_205] : memref<79x128xi32, #tpu.memory_space<vmem>> -> memref<1x128xi32, #tpu.memory_space<vmem>>
    %dma_start3A_207 = tpu.memref_squeeze %dma_start3A_206 : memref<1x128xi32, #tpu.memory_space<vmem>> -> memref<128xi32, #tpu.memory_space<vmem>>
    %dma_start3A_208 = arith.constant 0 : i32
    %dma_start3A_209 = arith.constant 0 : i32
    %dma_start3A_210 = tpu.memref_slice %arg2[%dma_start3A_208, %dma_start3A_209] : memref<10000x128xf32, #tpu.memory_space<hbm>> -> memref<10000x128xf32, #tpu.memory_space<hbm>>
    tpu.enqueue_indirect_dma source(%dma_start3A_210 : memref<10000x128xf32, #tpu.memory_space<hbm>>) target(%dma_start3A_204 : memref<128x128xf32, #tpu.memory_space<vmem>>) offsets(%dma_start3A_207 : memref<128xi32, #tpu.memory_space<vmem>>) semaphore(%arg11 : memref<!tpu.dma_semaphore, #tpu.memory_space<semaphore_mem>>)
    %dma_wait3A_211 = arith.constant 76 : i32
    %dma_wait3A_212 = arith.constant 0 : i32
    %dma_wait3A_213 = arith.constant 0 : i32
    %dma_wait3A_214 = arith.constant 0 : i32
    %dma_wait3A_215 = tpu.memref_slice %arg9[%dma_wait3A_212, %dma_wait3A_213, %dma_wait3A_214] : memref<2x128x128xf32, #tpu.memory_space<vmem>> -> memref<1x128x128xf32, #tpu.memory_space<vmem>>
    %dma_wait3A_216 = tpu.memref_squeeze %dma_wait3A_215 : memref<1x128x128xf32, #tpu.memory_space<vmem>> -> memref<128x128xf32, #tpu.memory_space<vmem>>
    %dma_wait3A_217 = arith.constant 0 : i32
    %dma_wait3A_218 = tpu.memref_slice %arg7[%dma_wait3A_211, %dma_wait3A_217] : memref<79x128xi32, #tpu.memory_space<vmem>> -> memref<1x128xi32, #tpu.memory_space<vmem>>
    %dma_wait3A_219 = tpu.memref_squeeze %dma_wait3A_218 : memref<1x128xi32, #tpu.memory_space<vmem>> -> memref<128xi32, #tpu.memory_space<vmem>>
    %dma_wait3A_220 = arith.constant 0 : i32
    %dma_wait3A_221 = arith.constant 0 : i32
    %dma_wait3A_222 = tpu.memref_slice %arg2[%dma_wait3A_220, %dma_wait3A_221] : memref<10000x128xf32, #tpu.memory_space<hbm>> -> memref<10000x128xf32, #tpu.memory_space<hbm>>
    tpu.wait_indirect_dma semaphore(%arg11 : memref<!tpu.dma_semaphore, #tpu.memory_space<semaphore_mem>>) src(%dma_wait3A_222 : memref<10000x128xf32, #tpu.memory_space<hbm>>) dst(%dma_wait3A_216 : memref<128x128xf32, #tpu.memory_space<vmem>>)
    %dma_start3A_223 = arith.constant 0 : i32
    %dma_start3A_224 = arith.constant 4 : i32
    %dma_start3A_225 = arith.constant 0 : i32
    %dma_start3A_226 = arith.constant 0 : i32
    %dma_start3A_227 = tpu.memref_slice %arg9[%dma_start3A_223, %dma_start3A_225, %dma_start3A_226] : memref<2x128x128xf32, #tpu.memory_space<vmem>> -> memref<1x128x128xf32, #tpu.memory_space<vmem>>
    %dma_start3A_228 = tpu.memref_squeeze %dma_start3A_227 : memref<1x128x128xf32, #tpu.memory_space<vmem>> -> memref<128x128xf32, #tpu.memory_space<vmem>>
    %dma_start3A_229 = arith.constant 0 : i32
    %dma_start3A_230 = tpu.memref_slice %arg8[%dma_start3A_224, %dma_start3A_229] : memref<8x128xi32, #tpu.memory_space<vmem>> -> memref<1x128xi32, #tpu.memory_space<vmem>>
    %dma_start3A_231 = tpu.memref_squeeze %dma_start3A_230 : memref<1x128xi32, #tpu.memory_space<vmem>> -> memref<128xi32, #tpu.memory_space<vmem>>
    %dma_start3A_232 = arith.constant 0 : i32
    %dma_start3A_233 = arith.constant 0 : i32
    %dma_start3A_234 = tpu.memref_slice %arg10[%dma_start3A_232, %dma_start3A_233] : memref<10112x128xf32, #tpu.memory_space<vmem_shared>> -> memref<10112x128xf32, #tpu.memory_space<vmem_shared>>
    tpu.enqueue_indirect_dma source(%dma_start3A_228 : memref<128x128xf32, #tpu.memory_space<vmem>>) target(%dma_start3A_234 : memref<10112x128xf32, #tpu.memory_space<vmem_shared>>) offsets(%dma_start3A_231 : memref<128xi32, #tpu.memory_space<vmem>>) semaphore(%arg12 : memref<!tpu.dma_semaphore, #tpu.memory_space<semaphore_mem>>) {add = true}
    %dma_wait3A_235 = arith.constant 0 : i32
    %dma_wait3A_236 = arith.constant 4 : i32
    %dma_wait3A_237 = arith.constant 0 : i32
    %dma_wait3A_238 = arith.constant 0 : i32
    %dma_wait3A_239 = tpu.memref_slice %arg9[%dma_wait3A_235, %dma_wait3A_237, %dma_wait3A_238] : memref<2x128x128xf32, #tpu.memory_space<vmem>> -> memref<1x128x128xf32, #tpu.memory_space<vmem>>
    %dma_wait3A_240 = tpu.memref_squeeze %dma_wait3A_239 : memref<1x128x128xf32, #tpu.memory_space<vmem>> -> memref<128x128xf32, #tpu.memory_space<vmem>>
    %dma_wait3A_241 = arith.constant 0 : i32
    %dma_wait3A_242 = tpu.memref_slice %arg8[%dma_wait3A_236, %dma_wait3A_241] : memref<8x128xi32, #tpu.memory_space<vmem>> -> memref<1x128xi32, #tpu.memory_space<vmem>>
    %dma_wait3A_243 = tpu.memref_squeeze %dma_wait3A_242 : memref<1x128xi32, #tpu.memory_space<vmem>> -> memref<128xi32, #tpu.memory_space<vmem>>
    %dma_wait3A_244 = arith.constant 0 : i32
    %dma_wait3A_245 = arith.constant 0 : i32
    %dma_wait3A_246 = tpu.memref_slice %arg10[%dma_wait3A_244, %dma_wait3A_245] : memref<10112x128xf32, #tpu.memory_space<vmem_shared>> -> memref<10112x128xf32, #tpu.memory_space<vmem_shared>>
    tpu.wait_indirect_dma semaphore(%arg12 : memref<!tpu.dma_semaphore, #tpu.memory_space<semaphore_mem>>) src(%dma_wait3A_240 : memref<128x128xf32, #tpu.memory_space<vmem>>) dst(%dma_wait3A_246 : memref<10112x128xf32, #tpu.memory_space<vmem_shared>>)
    %dma_start3A_247 = arith.constant 77 : i32
    %dma_start3A_248 = arith.constant 1 : i32
    %dma_start3A_249 = arith.constant 0 : i32
    %dma_start3A_250 = arith.constant 0 : i32
    %dma_start3A_251 = tpu.memref_slice %arg9[%dma_start3A_248, %dma_start3A_249, %dma_start3A_250] : memref<2x128x128xf32, #tpu.memory_space<vmem>> -> memref<1x128x128xf32, #tpu.memory_space<vmem>>
    %dma_start3A_252 = tpu.memref_squeeze %dma_start3A_251 : memref<1x128x128xf32, #tpu.memory_space<vmem>> -> memref<128x128xf32, #tpu.memory_space<vmem>>
    %dma_start3A_253 = arith.constant 0 : i32
    %dma_start3A_254 = tpu.memref_slice %arg7[%dma_start3A_247, %dma_start3A_253] : memref<79x128xi32, #tpu.memory_space<vmem>> -> memref<1x128xi32, #tpu.memory_space<vmem>>
    %dma_start3A_255 = tpu.memref_squeeze %dma_start3A_254 : memref<1x128xi32, #tpu.memory_space<vmem>> -> memref<128xi32, #tpu.memory_space<vmem>>
    %dma_start3A_256 = arith.constant 0 : i32
    %dma_start3A_257 = arith.constant 0 : i32
    %dma_start3A_258 = tpu.memref_slice %arg2[%dma_start3A_256, %dma_start3A_257] : memref<10000x128xf32, #tpu.memory_space<hbm>> -> memref<10000x128xf32, #tpu.memory_space<hbm>>
    tpu.enqueue_indirect_dma source(%dma_start3A_258 : memref<10000x128xf32, #tpu.memory_space<hbm>>) target(%dma_start3A_252 : memref<128x128xf32, #tpu.memory_space<vmem>>) offsets(%dma_start3A_255 : memref<128xi32, #tpu.memory_space<vmem>>) semaphore(%arg11 : memref<!tpu.dma_semaphore, #tpu.memory_space<semaphore_mem>>)
    %dma_wait3A_259 = arith.constant 77 : i32
    %dma_wait3A_260 = arith.constant 1 : i32
    %dma_wait3A_261 = arith.constant 0 : i32
    %dma_wait3A_262 = arith.constant 0 : i32
    %dma_wait3A_263 = tpu.memref_slice %arg9[%dma_wait3A_260, %dma_wait3A_261, %dma_wait3A_262] : memref<2x128x128xf32, #tpu.memory_space<vmem>> -> memref<1x128x128xf32, #tpu.memory_space<vmem>>
    %dma_wait3A_264 = tpu.memref_squeeze %dma_wait3A_263 : memref<1x128x128xf32, #tpu.memory_space<vmem>> -> memref<128x128xf32, #tpu.memory_space<vmem>>
    %dma_wait3A_265 = arith.constant 0 : i32
    %dma_wait3A_266 = tpu.memref_slice %arg7[%dma_wait3A_259, %dma_wait3A_265] : memref<79x128xi32, #tpu.memory_space<vmem>> -> memref<1x128xi32, #tpu.memory_space<vmem>>
    %dma_wait3A_267 = tpu.memref_squeeze %dma_wait3A_266 : memref<1x128xi32, #tpu.memory_space<vmem>> -> memref<128xi32, #tpu.memory_space<vmem>>
    %dma_wait3A_268 = arith.constant 0 : i32
    %dma_wait3A_269 = arith.constant 0 : i32
    %dma_wait3A_270 = tpu.memref_slice %arg2[%dma_wait3A_268, %dma_wait3A_269] : memref<10000x128xf32, #tpu.memory_space<hbm>> -> memref<10000x128xf32, #tpu.memory_space<hbm>>
    tpu.wait_indirect_dma semaphore(%arg11 : memref<!tpu.dma_semaphore, #tpu.memory_space<semaphore_mem>>) src(%dma_wait3A_270 : memref<10000x128xf32, #tpu.memory_space<hbm>>) dst(%dma_wait3A_264 : memref<128x128xf32, #tpu.memory_space<vmem>>)
    %dma_start3A_271 = arith.constant 1 : i32
    %dma_start3A_272 = arith.constant 5 : i32
    %dma_start3A_273 = arith.constant 0 : i32
    %dma_start3A_274 = arith.constant 0 : i32
    %dma_start3A_275 = tpu.memref_slice %arg9[%dma_start3A_271, %dma_start3A_273, %dma_start3A_274] : memref<2x128x128xf32, #tpu.memory_space<vmem>> -> memref<1x128x128xf32, #tpu.memory_space<vmem>>
    %dma_start3A_276 = tpu.memref_squeeze %dma_start3A_275 : memref<1x128x128xf32, #tpu.memory_space<vmem>> -> memref<128x128xf32, #tpu.memory_space<vmem>>
    %dma_start3A_277 = arith.constant 0 : i32
    %dma_start3A_278 = tpu.memref_slice %arg8[%dma_start3A_272, %dma_start3A_277] : memref<8x128xi32, #tpu.memory_space<vmem>> -> memref<1x128xi32, #tpu.memory_space<vmem>>
    %dma_start3A_279 = tpu.memref_squeeze %dma_start3A_278 : memref<1x128xi32, #tpu.memory_space<vmem>> -> memref<128xi32, #tpu.memory_space<vmem>>
    %dma_start3A_280 = arith.constant 0 : i32
    %dma_start3A_281 = arith.constant 0 : i32
    %dma_start3A_282 = tpu.memref_slice %arg10[%dma_start3A_280, %dma_start3A_281] : memref<10112x128xf32, #tpu.memory_space<vmem_shared>> -> memref<10112x128xf32, #tpu.memory_space<vmem_shared>>
    tpu.enqueue_indirect_dma source(%dma_start3A_276 : memref<128x128xf32, #tpu.memory_space<vmem>>) target(%dma_start3A_282 : memref<10112x128xf32, #tpu.memory_space<vmem_shared>>) offsets(%dma_start3A_279 : memref<128xi32, #tpu.memory_space<vmem>>) semaphore(%arg12 : memref<!tpu.dma_semaphore, #tpu.memory_space<semaphore_mem>>) {add = true}
    %dma_wait3A_283 = arith.constant 1 : i32
    %dma_wait3A_284 = arith.constant 5 : i32
    %dma_wait3A_285 = arith.constant 0 : i32
    %dma_wait3A_286 = arith.constant 0 : i32
    %dma_wait3A_287 = tpu.memref_slice %arg9[%dma_wait3A_283, %dma_wait3A_285, %dma_wait3A_286] : memref<2x128x128xf32, #tpu.memory_space<vmem>> -> memref<1x128x128xf32, #tpu.memory_space<vmem>>
    %dma_wait3A_288 = tpu.memref_squeeze %dma_wait3A_287 : memref<1x128x128xf32, #tpu.memory_space<vmem>> -> memref<128x128xf32, #tpu.memory_space<vmem>>
    %dma_wait3A_289 = arith.constant 0 : i32
    %dma_wait3A_290 = tpu.memref_slice %arg8[%dma_wait3A_284, %dma_wait3A_289] : memref<8x128xi32, #tpu.memory_space<vmem>> -> memref<1x128xi32, #tpu.memory_space<vmem>>
    %dma_wait3A_291 = tpu.memref_squeeze %dma_wait3A_290 : memref<1x128xi32, #tpu.memory_space<vmem>> -> memref<128xi32, #tpu.memory_space<vmem>>
    %dma_wait3A_292 = arith.constant 0 : i32
    %dma_wait3A_293 = arith.constant 0 : i32
    %dma_wait3A_294 = tpu.memref_slice %arg10[%dma_wait3A_292, %dma_wait3A_293] : memref<10112x128xf32, #tpu.memory_space<vmem_shared>> -> memref<10112x128xf32, #tpu.memory_space<vmem_shared>>
    tpu.wait_indirect_dma semaphore(%arg12 : memref<!tpu.dma_semaphore, #tpu.memory_space<semaphore_mem>>) src(%dma_wait3A_288 : memref<128x128xf32, #tpu.memory_space<vmem>>) dst(%dma_wait3A_294 : memref<10112x128xf32, #tpu.memory_space<vmem_shared>>)
    %dma_start3A_295 = arith.constant 78 : i32
    %dma_start3A_296 = arith.constant 0 : i32
    %dma_start3A_297 = arith.constant 0 : i32
    %dma_start3A_298 = arith.constant 0 : i32
    %dma_start3A_299 = tpu.memref_slice %arg9[%dma_start3A_296, %dma_start3A_297, %dma_start3A_298] : memref<2x128x128xf32, #tpu.memory_space<vmem>> -> memref<1x128x128xf32, #tpu.memory_space<vmem>>
    %dma_start3A_300 = tpu.memref_squeeze %dma_start3A_299 : memref<1x128x128xf32, #tpu.memory_space<vmem>> -> memref<128x128xf32, #tpu.memory_space<vmem>>
    %dma_start3A_301 = arith.constant 0 : i32
    %dma_start3A_302 = tpu.memref_slice %arg7[%dma_start3A_295, %dma_start3A_301] : memref<79x128xi32, #tpu.memory_space<vmem>> -> memref<1x128xi32, #tpu.memory_space<vmem>>
    %dma_start3A_303 = tpu.memref_squeeze %dma_start3A_302 : memref<1x128xi32, #tpu.memory_space<vmem>> -> memref<128xi32, #tpu.memory_space<vmem>>
    %dma_start3A_304 = arith.constant 0 : i32
    %dma_start3A_305 = arith.constant 0 : i32
    %dma_start3A_306 = tpu.memref_slice %arg2[%dma_start3A_304, %dma_start3A_305] : memref<10000x128xf32, #tpu.memory_space<hbm>> -> memref<10000x128xf32, #tpu.memory_space<hbm>>
    tpu.enqueue_indirect_dma source(%dma_start3A_306 : memref<10000x128xf32, #tpu.memory_space<hbm>>) target(%dma_start3A_300 : memref<128x128xf32, #tpu.memory_space<vmem>>) offsets(%dma_start3A_303 : memref<128xi32, #tpu.memory_space<vmem>>) semaphore(%arg11 : memref<!tpu.dma_semaphore, #tpu.memory_space<semaphore_mem>>)
    %dma_wait3A_307 = arith.constant 78 : i32
    %dma_wait3A_308 = arith.constant 0 : i32
    %dma_wait3A_309 = arith.constant 0 : i32
    %dma_wait3A_310 = arith.constant 0 : i32
    %dma_wait3A_311 = tpu.memref_slice %arg9[%dma_wait3A_308, %dma_wait3A_309, %dma_wait3A_310] : memref<2x128x128xf32, #tpu.memory_space<vmem>> -> memref<1x128x128xf32, #tpu.memory_space<vmem>>
    %dma_wait3A_312 = tpu.memref_squeeze %dma_wait3A_311 : memref<1x128x128xf32, #tpu.memory_space<vmem>> -> memref<128x128xf32, #tpu.memory_space<vmem>>
    %dma_wait3A_313 = arith.constant 0 : i32
    %dma_wait3A_314 = tpu.memref_slice %arg7[%dma_wait3A_307, %dma_wait3A_313] : memref<79x128xi32, #tpu.memory_space<vmem>> -> memref<1x128xi32, #tpu.memory_space<vmem>>
    %dma_wait3A_315 = tpu.memref_squeeze %dma_wait3A_314 : memref<1x128xi32, #tpu.memory_space<vmem>> -> memref<128xi32, #tpu.memory_space<vmem>>
    %dma_wait3A_316 = arith.constant 0 : i32
    %dma_wait3A_317 = arith.constant 0 : i32
    %dma_wait3A_318 = tpu.memref_slice %arg2[%dma_wait3A_316, %dma_wait3A_317] : memref<10000x128xf32, #tpu.memory_space<hbm>> -> memref<10000x128xf32, #tpu.memory_space<hbm>>
    tpu.wait_indirect_dma semaphore(%arg11 : memref<!tpu.dma_semaphore, #tpu.memory_space<semaphore_mem>>) src(%dma_wait3A_318 : memref<10000x128xf32, #tpu.memory_space<hbm>>) dst(%dma_wait3A_312 : memref<128x128xf32, #tpu.memory_space<vmem>>)
    %dma_start3A_319 = arith.constant 0 : i32
    %dma_start3A_320 = arith.constant 6 : i32
    %dma_start3A_321 = arith.constant 0 : i32
    %dma_start3A_322 = arith.constant 0 : i32
    %dma_start3A_323 = tpu.memref_slice %arg9[%dma_start3A_319, %dma_start3A_321, %dma_start3A_322] : memref<2x128x128xf32, #tpu.memory_space<vmem>> -> memref<1x128x128xf32, #tpu.memory_space<vmem>>
    %dma_start3A_324 = tpu.memref_squeeze %dma_start3A_323 : memref<1x128x128xf32, #tpu.memory_space<vmem>> -> memref<128x128xf32, #tpu.memory_space<vmem>>
    %dma_start3A_325 = arith.constant 0 : i32
    %dma_start3A_326 = tpu.memref_slice %arg8[%dma_start3A_320, %dma_start3A_325] : memref<8x128xi32, #tpu.memory_space<vmem>> -> memref<1x128xi32, #tpu.memory_space<vmem>>
    %dma_start3A_327 = tpu.memref_squeeze %dma_start3A_326 : memref<1x128xi32, #tpu.memory_space<vmem>> -> memref<128xi32, #tpu.memory_space<vmem>>
    %dma_start3A_328 = arith.constant 0 : i32
    %dma_start3A_329 = arith.constant 0 : i32
    %dma_start3A_330 = tpu.memref_slice %arg10[%dma_start3A_328, %dma_start3A_329] : memref<10112x128xf32, #tpu.memory_space<vmem_shared>> -> memref<10112x128xf32, #tpu.memory_space<vmem_shared>>
    tpu.enqueue_indirect_dma source(%dma_start3A_324 : memref<128x128xf32, #tpu.memory_space<vmem>>) target(%dma_start3A_330 : memref<10112x128xf32, #tpu.memory_space<vmem_shared>>) offsets(%dma_start3A_327 : memref<128xi32, #tpu.memory_space<vmem>>) semaphore(%arg12 : memref<!tpu.dma_semaphore, #tpu.memory_space<semaphore_mem>>) {add = true}
    %dma_wait3A_331 = arith.constant 0 : i32
    %dma_wait3A_332 = arith.constant 6 : i32
    %dma_wait3A_333 = arith.constant 0 : i32
    %dma_wait3A_334 = arith.constant 0 : i32
    %dma_wait3A_335 = tpu.memref_slice %arg9[%dma_wait3A_331, %dma_wait3A_333, %dma_wait3A_334] : memref<2x128x128xf32, #tpu.memory_space<vmem>> -> memref<1x128x128xf32, #tpu.memory_space<vmem>>
    %dma_wait3A_336 = tpu.memref_squeeze %dma_wait3A_335 : memref<1x128x128xf32, #tpu.memory_space<vmem>> -> memref<128x128xf32, #tpu.memory_space<vmem>>
    %dma_wait3A_337 = arith.constant 0 : i32
    %dma_wait3A_338 = tpu.memref_slice %arg8[%dma_wait3A_332, %dma_wait3A_337] : memref<8x128xi32, #tpu.memory_space<vmem>> -> memref<1x128xi32, #tpu.memory_space<vmem>>
    %dma_wait3A_339 = tpu.memref_squeeze %dma_wait3A_338 : memref<1x128xi32, #tpu.memory_space<vmem>> -> memref<128xi32, #tpu.memory_space<vmem>>
    %dma_wait3A_340 = arith.constant 0 : i32
    %dma_wait3A_341 = arith.constant 0 : i32
    %dma_wait3A_342 = tpu.memref_slice %arg10[%dma_wait3A_340, %dma_wait3A_341] : memref<10112x128xf32, #tpu.memory_space<vmem_shared>> -> memref<10112x128xf32, #tpu.memory_space<vmem_shared>>
    tpu.wait_indirect_dma semaphore(%arg12 : memref<!tpu.dma_semaphore, #tpu.memory_space<semaphore_mem>>) src(%dma_wait3A_336 : memref<128x128xf32, #tpu.memory_space<vmem>>) dst(%dma_wait3A_342 : memref<10112x128xf32, #tpu.memory_space<vmem_shared>>)
    %barrier3A_343 = arith.constant 0 : index
    tpu.barrier barrier_id(%barrier3A_343)
    %mul3A_344 = arith.constant 632 : i32
    %mul3A_345 = arith.muli %arg1, %mul3A_344 : i32
    %mul3A_346 = arith.constant 632 : i32
    %mul3A_347 = arith.muli %arg1, %mul3A_346 : i32
    "tpu.region"() ({
      %run_scoped3A = tpu.sem_alloc : memref<!tpu.dma_semaphore, #tpu.memory_space<semaphore_mem>>
      %dma_start3A_348 = arith.constant 0 : i32
      %dma_start3A_349 = tpu.memref_slice %arg6[%arg0, %mul3A_347, %dma_start3A_348] : memref<2x10112x128xf32, #tpu.memory_space<hbm>> -> memref<1x632x128xf32, #tpu.memory_space<hbm>>
      %dma_start3A_350 = tpu.memref_squeeze %dma_start3A_349 : memref<1x632x128xf32, #tpu.memory_space<hbm>> -> memref<632x128xf32, #tpu.memory_space<hbm>>
      %dma_start3A_351 = arith.constant 0 : i32
      %dma_start3A_352 = tpu.memref_slice %arg10[%mul3A_345, %dma_start3A_351] : memref<10112x128xf32, #tpu.memory_space<vmem_shared>> -> memref<632x128xf32, #tpu.memory_space<vmem_shared>>
      tpu.enqueue_dma source(%dma_start3A_352 : memref<632x128xf32, #tpu.memory_space<vmem_shared>>) target(%dma_start3A_350 : memref<632x128xf32, #tpu.memory_space<hbm>>) target_semaphore(%run_scoped3A : memref<!tpu.dma_semaphore, #tpu.memory_space<semaphore_mem>>)
      %dma_wait3A_353 = arith.constant 0 : i32
      %dma_wait3A_354 = tpu.memref_slice %arg6[%arg0, %mul3A_347, %dma_wait3A_353] : memref<2x10112x128xf32, #tpu.memory_space<hbm>> -> memref<1x632x128xf32, #tpu.memory_space<hbm>>
      %dma_wait3A_355 = tpu.memref_squeeze %dma_wait3A_354 : memref<1x632x128xf32, #tpu.memory_space<hbm>> -> memref<632x128xf32, #tpu.memory_space<hbm>>
      %dma_wait3A_356 = arith.constant 0 : i32
      %dma_wait3A_357 = tpu.memref_slice %arg10[%mul3A_345, %dma_wait3A_356] : memref<10112x128xf32, #tpu.memory_space<vmem_shared>> -> memref<632x128xf32, #tpu.memory_space<vmem_shared>>
      tpu.wait_dma2 semaphore(%run_scoped3A : memref<!tpu.dma_semaphore, #tpu.memory_space<semaphore_mem>>) src(%dma_wait3A_357 : memref<632x128xf32, #tpu.memory_space<vmem_shared>>) dst(%dma_wait3A_355 : memref<632x128xf32, #tpu.memory_space<hbm>>)
      tpu.yield
    }) : () -> ()
    return
  }
}

#map = affine_map<(d0, d1) -> (0, 0, 0)>
#map1 = affine_map<(d0, d1) -> (0, 0)>
module attributes {stable_mosaic.version = 14 : i64} {
  func.func @deg_kernel(%arg0: i32, %arg1: i32, %arg2: memref<32x79x128xi32, #tpu.memory_space<hbm>>, %arg3: memref<128x128xf32, #tpu.memory_space<hbm>>, %arg4: memref<10112x128xf32, #tpu.memory_space<hbm>>, %arg5: memref<2x10112x128xf32, #tpu.memory_space<hbm>>, %arg6: memref<79x128xi32, #tpu.memory_space<vmem>>, %arg7: memref<128x128xf32, #tpu.memory_space<vmem>>, %arg8: memref<10112x128xf32, #tpu.memory_space<vmem_shared>>, %arg9: memref<!tpu.dma_semaphore, #tpu.memory_space<semaphore_mem>>) attributes {dimension_semantics = [#tpu.dimension_semantics<core_parallel>, #tpu.dimension_semantics<subcore_parallel>], iteration_bounds = array<i64: 2, 16>, scalar_prefetch = 0 : i64, scratch_operands = 4 : i64, tpu.core_type = #tpu.core_type<sc_vector_subcore>, window_params = [{transform_indices = #map}, {transform_indices = #map1}, {transform_indices = #map1}, {transform_indices = #map}]} {
    %mul3A = arith.constant 16 : i32
    %mul3A_0 = arith.muli %arg0, %mul3A : i32
    %add3A = arith.addi %mul3A_0, %arg1 : i32
    %mul3A_1 = arith.constant 632 : i32
    %mul3A_2 = arith.muli %arg1, %mul3A_1 : i32
    %mul3A_3 = arith.constant 632 : i32
    %mul3A_4 = arith.muli %arg1, %mul3A_3 : i32
    "tpu.region"() ({
      %run_scoped3A = tpu.sem_alloc : memref<!tpu.dma_semaphore, #tpu.memory_space<semaphore_mem>>
      %dma_start3A = arith.constant 0 : i32
      %dma_start3A_19 = tpu.memref_slice %arg8[%mul3A_4, %dma_start3A] : memref<10112x128xf32, #tpu.memory_space<vmem_shared>> -> memref<632x128xf32, #tpu.memory_space<vmem_shared>>
      %dma_start3A_20 = arith.constant 0 : i32
      %dma_start3A_21 = tpu.memref_slice %arg4[%mul3A_2, %dma_start3A_20] : memref<10112x128xf32, #tpu.memory_space<hbm>> -> memref<632x128xf32, #tpu.memory_space<hbm>>
      tpu.enqueue_dma source(%dma_start3A_21 : memref<632x128xf32, #tpu.memory_space<hbm>>) target(%dma_start3A_19 : memref<632x128xf32, #tpu.memory_space<vmem_shared>>) target_semaphore(%run_scoped3A : memref<!tpu.dma_semaphore, #tpu.memory_space<semaphore_mem>>)
      %dma_wait3A = arith.constant 0 : i32
      %dma_wait3A_22 = tpu.memref_slice %arg8[%mul3A_4, %dma_wait3A] : memref<10112x128xf32, #tpu.memory_space<vmem_shared>> -> memref<632x128xf32, #tpu.memory_space<vmem_shared>>
      %dma_wait3A_23 = arith.constant 0 : i32
      %dma_wait3A_24 = tpu.memref_slice %arg4[%mul3A_2, %dma_wait3A_23] : memref<10112x128xf32, #tpu.memory_space<hbm>> -> memref<632x128xf32, #tpu.memory_space<hbm>>
      tpu.wait_dma2 semaphore(%run_scoped3A : memref<!tpu.dma_semaphore, #tpu.memory_space<semaphore_mem>>) src(%dma_wait3A_24 : memref<632x128xf32, #tpu.memory_space<hbm>>) dst(%dma_wait3A_22 : memref<632x128xf32, #tpu.memory_space<vmem_shared>>)
      tpu.yield
    }) : () -> ()
    "tpu.region"() ({
      %run_scoped3A = tpu.sem_alloc : memref<!tpu.dma_semaphore, #tpu.memory_space<semaphore_mem>>
      tpu.enqueue_dma source(%arg3 : memref<128x128xf32, #tpu.memory_space<hbm>>) target(%arg7 : memref<128x128xf32, #tpu.memory_space<vmem>>) target_semaphore(%run_scoped3A : memref<!tpu.dma_semaphore, #tpu.memory_space<semaphore_mem>>)
      tpu.wait_dma2 semaphore(%run_scoped3A : memref<!tpu.dma_semaphore, #tpu.memory_space<semaphore_mem>>) src(%arg3 : memref<128x128xf32, #tpu.memory_space<hbm>>) dst(%arg7 : memref<128x128xf32, #tpu.memory_space<vmem>>)
      tpu.yield
    }) : () -> ()
    "tpu.region"() ({
      %run_scoped3A = tpu.sem_alloc : memref<!tpu.dma_semaphore, #tpu.memory_space<semaphore_mem>>
      %dma_start3A = arith.constant 0 : i32
      %dma_start3A_19 = arith.constant 0 : i32
      %dma_start3A_20 = tpu.memref_slice %arg2[%add3A, %dma_start3A, %dma_start3A_19] : memref<32x79x128xi32, #tpu.memory_space<hbm>> -> memref<1x79x128xi32, #tpu.memory_space<hbm>>
      %dma_start3A_21 = tpu.memref_squeeze %dma_start3A_20 : memref<1x79x128xi32, #tpu.memory_space<hbm>> -> memref<79x128xi32, #tpu.memory_space<hbm>>
      %dma_start3A_22 = arith.constant 0 : i32
      %dma_start3A_23 = arith.constant 0 : i32
      %dma_start3A_24 = tpu.memref_slice %arg2[%add3A, %dma_start3A_22, %dma_start3A_23] : memref<32x79x128xi32, #tpu.memory_space<hbm>> -> memref<1x79x128xi32, #tpu.memory_space<hbm>>
      %dma_start3A_25 = tpu.memref_squeeze %dma_start3A_24 : memref<1x79x128xi32, #tpu.memory_space<hbm>> -> memref<79x128xi32, #tpu.memory_space<hbm>>
      tpu.enqueue_dma source(%dma_start3A_25 : memref<79x128xi32, #tpu.memory_space<hbm>>) target(%arg6 : memref<79x128xi32, #tpu.memory_space<vmem>>) target_semaphore(%run_scoped3A : memref<!tpu.dma_semaphore, #tpu.memory_space<semaphore_mem>>)
      %dma_wait3A = arith.constant 0 : i32
      %dma_wait3A_26 = arith.constant 0 : i32
      %dma_wait3A_27 = tpu.memref_slice %arg2[%add3A, %dma_wait3A, %dma_wait3A_26] : memref<32x79x128xi32, #tpu.memory_space<hbm>> -> memref<1x79x128xi32, #tpu.memory_space<hbm>>
      %dma_wait3A_28 = tpu.memref_squeeze %dma_wait3A_27 : memref<1x79x128xi32, #tpu.memory_space<hbm>> -> memref<79x128xi32, #tpu.memory_space<hbm>>
      %dma_wait3A_29 = arith.constant 0 : i32
      %dma_wait3A_30 = arith.constant 0 : i32
      %dma_wait3A_31 = tpu.memref_slice %arg2[%add3A, %dma_wait3A_29, %dma_wait3A_30] : memref<32x79x128xi32, #tpu.memory_space<hbm>> -> memref<1x79x128xi32, #tpu.memory_space<hbm>>
      %dma_wait3A_32 = tpu.memref_squeeze %dma_wait3A_31 : memref<1x79x128xi32, #tpu.memory_space<hbm>> -> memref<79x128xi32, #tpu.memory_space<hbm>>
      tpu.wait_dma2 semaphore(%run_scoped3A : memref<!tpu.dma_semaphore, #tpu.memory_space<semaphore_mem>>) src(%dma_wait3A_32 : memref<79x128xi32, #tpu.memory_space<hbm>>) dst(%arg6 : memref<79x128xi32, #tpu.memory_space<vmem>>)
      tpu.yield
    }) : () -> ()
    %barrier3A = arith.constant 0 : index
    tpu.barrier barrier_id(%barrier3A)
    %scan3A = arith.constant 0 : i32
    %scan3A_5 = arith.constant 79 : i32
    %scan3A_6 = arith.addi %scan3A, %scan3A_5 : i32
    %scan3A_7 = arith.constant 1 : i32
    scf.for %scan3A_19 = %scan3A to %scan3A_6 step %scan3A_7  : i32 {
      %mul3A_20 = arith.constant 1 : i32
      %mul3A_21 = arith.muli %scan3A_19, %mul3A_20 : i32
      %add3A_22 = arith.constant 0 : i32
      %add3A_23 = arith.addi %add3A_22, %mul3A_21 : i32
      %dma_start3A = arith.constant 0 : i32
      %dma_start3A_24 = tpu.memref_slice %arg6[%add3A_23, %dma_start3A] : memref<79x128xi32, #tpu.memory_space<vmem>> -> memref<1x128xi32, #tpu.memory_space<vmem>>
      %dma_start3A_25 = tpu.memref_squeeze %dma_start3A_24 : memref<1x128xi32, #tpu.memory_space<vmem>> -> memref<128xi32, #tpu.memory_space<vmem>>
      %dma_start3A_26 = arith.constant 0 : i32
      %dma_start3A_27 = arith.constant 0 : i32
      %dma_start3A_28 = tpu.memref_slice %arg8[%dma_start3A_26, %dma_start3A_27] : memref<10112x128xf32, #tpu.memory_space<vmem_shared>> -> memref<10112x128xf32, #tpu.memory_space<vmem_shared>>
      tpu.enqueue_indirect_dma source(%arg7 : memref<128x128xf32, #tpu.memory_space<vmem>>) target(%dma_start3A_28 : memref<10112x128xf32, #tpu.memory_space<vmem_shared>>) offsets(%dma_start3A_25 : memref<128xi32, #tpu.memory_space<vmem>>) semaphore(%arg9 : memref<!tpu.dma_semaphore, #tpu.memory_space<semaphore_mem>>) {add = true}
    }
    %scan3A_8 = arith.constant 79 : i32
    %scan3A_9 = arith.constant 0 : i32
    %scan3A_10 = arith.constant 79 : i32
    %scan3A_11 = arith.addi %scan3A_9, %scan3A_10 : i32
    %scan3A_12 = arith.constant 1 : i32
    scf.for %scan3A_19 = %scan3A_9 to %scan3A_11 step %scan3A_12  : i32 {
      %mul3A_20 = arith.constant 1 : i32
      %mul3A_21 = arith.muli %scan3A_19, %mul3A_20 : i32
      %add3A_22 = arith.constant 0 : i32
      %add3A_23 = arith.addi %add3A_22, %mul3A_21 : i32
      tpu.wait_dma2 semaphore(%arg9 : memref<!tpu.dma_semaphore, #tpu.memory_space<semaphore_mem>>) src(%arg3 : memref<128x128xf32, #tpu.memory_space<hbm>>) dst(%arg7 : memref<128x128xf32, #tpu.memory_space<vmem>>)
    }
    %scan3A_13 = arith.constant 79 : i32
    %barrier3A_14 = arith.constant 0 : index
    tpu.barrier barrier_id(%barrier3A_14)
    %mul3A_15 = arith.constant 632 : i32
    %mul3A_16 = arith.muli %arg1, %mul3A_15 : i32
    %mul3A_17 = arith.constant 632 : i32
    %mul3A_18 = arith.muli %arg1, %mul3A_17 : i32
    "tpu.region"() ({
      %run_scoped3A = tpu.sem_alloc : memref<!tpu.dma_semaphore, #tpu.memory_space<semaphore_mem>>
      %dma_start3A = arith.constant 0 : i32
      %dma_start3A_19 = tpu.memref_slice %arg5[%arg0, %mul3A_18, %dma_start3A] : memref<2x10112x128xf32, #tpu.memory_space<hbm>> -> memref<1x632x128xf32, #tpu.memory_space<hbm>>
      %dma_start3A_20 = tpu.memref_squeeze %dma_start3A_19 : memref<1x632x128xf32, #tpu.memory_space<hbm>> -> memref<632x128xf32, #tpu.memory_space<hbm>>
      %dma_start3A_21 = arith.constant 0 : i32
      %dma_start3A_22 = tpu.memref_slice %arg8[%mul3A_16, %dma_start3A_21] : memref<10112x128xf32, #tpu.memory_space<vmem_shared>> -> memref<632x128xf32, #tpu.memory_space<vmem_shared>>
      tpu.enqueue_dma source(%dma_start3A_22 : memref<632x128xf32, #tpu.memory_space<vmem_shared>>) target(%dma_start3A_20 : memref<632x128xf32, #tpu.memory_space<hbm>>) target_semaphore(%run_scoped3A : memref<!tpu.dma_semaphore, #tpu.memory_space<semaphore_mem>>)
      %dma_wait3A = arith.constant 0 : i32
      %dma_wait3A_23 = tpu.memref_slice %arg5[%arg0, %mul3A_18, %dma_wait3A] : memref<2x10112x128xf32, #tpu.memory_space<hbm>> -> memref<1x632x128xf32, #tpu.memory_space<hbm>>
      %dma_wait3A_24 = tpu.memref_squeeze %dma_wait3A_23 : memref<1x632x128xf32, #tpu.memory_space<hbm>> -> memref<632x128xf32, #tpu.memory_space<hbm>>
      %dma_wait3A_25 = arith.constant 0 : i32
      %dma_wait3A_26 = tpu.memref_slice %arg8[%mul3A_16, %dma_wait3A_25] : memref<10112x128xf32, #tpu.memory_space<vmem_shared>> -> memref<632x128xf32, #tpu.memory_space<vmem_shared>>
      tpu.wait_dma2 semaphore(%run_scoped3A : memref<!tpu.dma_semaphore, #tpu.memory_space<semaphore_mem>>) src(%dma_wait3A_26 : memref<632x128xf32, #tpu.memory_space<vmem_shared>>) dst(%dma_wait3A_24 : memref<632x128xf32, #tpu.memory_space<hbm>>)
      tpu.yield
    }) : () -> ()
    return
  }
}

module attributes {stable_mosaic.version = 14 : i64} {
  func.func @body(%arg0: memref<10000x128xf32, #tpu.memory_space<vmem>>, %arg1: memref<128x128xf32, #tpu.memory_space<vmem>>, %arg2: memref<10000x128xf32, #tpu.memory_space<vmem>>) attributes {dimension_semantics = [], scalar_prefetch = 0 : i64, scratch_operands = 0 : i64, tpu.core_type = #tpu.core_type<tc>} {
    %get3A = arith.constant 0 : index
    %get3A_0 = arith.constant 0 : index
    %get3A_1 = vector.load %arg0[%get3A, %get3A_0] : memref<10000x128xf32, #tpu.memory_space<vmem>>, vector<10000x128xf32>
    %get3A_2 = arith.constant 0 : index
    %get3A_3 = arith.constant 0 : index
    %get3A_4 = vector.load %arg1[%get3A_2, %get3A_3] : memref<128x128xf32, #tpu.memory_space<vmem>>, vector<128x128xf32>
    %dot_general3A = arith.constant dense<0.000000e+00> : vector<10000x128xf32>
    %dot_general3A_5 = tpu.matmul %get3A_1, %get3A_4, %dot_general3A {dimension_numbers = #tpu.dot_dimension_numbers<[1], [1], [0], [0], [0, 0, 1, 0], [], []>, transpose_lhs_hint = false} : vector<10000x128xf32>, vector<128x128xf32>, vector<10000x128xf32> -> vector<10000x128xf32>
    %swap3A = arith.constant 0 : index
    %swap3A_6 = arith.constant 0 : index
    %swap3A_7 = vector.load %arg2[%swap3A, %swap3A_6] : memref<10000x128xf32, #tpu.memory_space<vmem>>, vector<10000x128xf32>
    tpu.vector_store %arg2[%swap3A, %swap3A_6], %dot_general3A_5 {strides = array<i32>} : memref<10000x128xf32, #tpu.memory_space<vmem>>, vector<10000x128xf32>,
    return
  }
}

module attributes {stable_mosaic.version = 14 : i64} {
  func.func @body(%arg0: memref<2x10112x128xf32, #tpu.memory_space<vmem>>, %arg1: memref<10000x128xf32, #tpu.memory_space<vmem>>, %arg2: memref<10000x128xf32, #tpu.memory_space<vmem>>) attributes {dimension_semantics = [], scalar_prefetch = 0 : i64, scratch_operands = 0 : i64, tpu.core_type = #tpu.core_type<tc>} {
    %get3A = arith.constant 0 : index
    %get3A_0 = arith.constant 0 : index
    %get3A_1 = arith.constant 0 : index
    %get3A_2 = vector.load %arg0[%get3A, %get3A_0, %get3A_1] : memref<2x10112x128xf32, #tpu.memory_space<vmem>>, vector<1x10000x1xf32>
    %get3A_3 = vector.shape_cast %get3A_2 : vector<1x10000x1xf32> to vector<10000x1xf32>
    %get3A_4 = arith.constant 1 : index
    %get3A_5 = arith.constant 0 : index
    %get3A_6 = arith.constant 0 : index
    %get3A_7 = vector.load %arg0[%get3A_4, %get3A_5, %get3A_6] : memref<2x10112x128xf32, #tpu.memory_space<vmem>>, vector<1x10000x1xf32>
    %get3A_8 = vector.shape_cast %get3A_7 : vector<1x10000x1xf32> to vector<10000x1xf32>
    %add3A = arith.addf %get3A_3, %get3A_8 : vector<10000x1xf32>
    %add3A_9 = arith.constant 1.000000e+00 : f32
    %add3A_10 = vector.broadcast %add3A_9 : f32 to vector<10000x1xf32>
    %add3A_11 = arith.addf %add3A, %add3A_10 : vector<10000x1xf32>
    %get3A_12 = arith.constant 0 : index
    %get3A_13 = arith.constant 0 : index
    %get3A_14 = vector.load %arg1[%get3A_12, %get3A_13] : memref<10000x128xf32, #tpu.memory_space<vmem>>, vector<10000x128xf32>
    %rsqrt3A = math.rsqrt %add3A_11 : vector<10000x1xf32>
    %mul3A = vector.broadcast %rsqrt3A : vector<10000x1xf32> to vector<10000x128xf32>
    %mul3A_15 = arith.mulf %get3A_14, %mul3A : vector<10000x128xf32>
    %swap3A = arith.constant 0 : index
    %swap3A_16 = arith.constant 0 : index
    %swap3A_17 = vector.load %arg2[%swap3A, %swap3A_16] : memref<10000x128xf32, #tpu.memory_space<vmem>>, vector<10000x128xf32>
    tpu.vector_store %arg2[%swap3A, %swap3A_16], %mul3A_15 {strides = array<i32>} : memref<10000x128xf32, #tpu.memory_space<vmem>>, vector<10000x128xf32>,
    return
  }
}

module attributes {stable_mosaic.version = 14 : i64} {
  func.func @body(%arg0: memref<2x10112x128xf32, #tpu.memory_space<vmem>>, %arg1: memref<2x10112x128xf32, #tpu.memory_space<vmem>>, %arg2: memref<10000x128xf32, #tpu.memory_space<vmem>>, %arg3: memref<10000x128xf32, #tpu.memory_space<vmem>>, %arg4: memref<1x128xf32, #tpu.memory_space<vmem>>, %arg5: memref<1x128xf32, #tpu.memory_space<vmem>>, %arg6: memref<1x128xf32, #tpu.memory_space<vmem>>, %arg7: memref<10000x128xf32, #tpu.memory_space<vmem>>) attributes {dimension_semantics = [], scalar_prefetch = 0 : i64, scratch_operands = 0 : i64, tpu.core_type = #tpu.core_type<tc>} {
    %get3A = arith.constant 0 : index
    %get3A_0 = arith.constant 0 : index
    %get3A_1 = arith.constant 0 : index
    %get3A_2 = vector.load %arg1[%get3A, %get3A_0, %get3A_1] : memref<2x10112x128xf32, #tpu.memory_space<vmem>>, vector<1x10000x1xf32>
    %get3A_3 = vector.shape_cast %get3A_2 : vector<1x10000x1xf32> to vector<10000x1xf32>
    %get3A_4 = arith.constant 1 : index
    %get3A_5 = arith.constant 0 : index
    %get3A_6 = arith.constant 0 : index
    %get3A_7 = vector.load %arg1[%get3A_4, %get3A_5, %get3A_6] : memref<2x10112x128xf32, #tpu.memory_space<vmem>>, vector<1x10000x1xf32>
    %get3A_8 = vector.shape_cast %get3A_7 : vector<1x10000x1xf32> to vector<10000x1xf32>
    %add3A = arith.addf %get3A_3, %get3A_8 : vector<10000x1xf32>
    %add3A_9 = arith.constant 1.000000e+00 : f32
    %add3A_10 = vector.broadcast %add3A_9 : f32 to vector<10000x1xf32>
    %add3A_11 = arith.addf %add3A, %add3A_10 : vector<10000x1xf32>
    %rsqrt3A = math.rsqrt %add3A_11 : vector<10000x1xf32>
    %get3A_12 = arith.constant 0 : index
    %get3A_13 = arith.constant 0 : index
    %get3A_14 = arith.constant 0 : index
    %get3A_15 = vector.load %arg0[%get3A_12, %get3A_13, %get3A_14] : memref<2x10112x128xf32, #tpu.memory_space<vmem>>, vector<1x10000x128xf32>
    %get3A_16 = vector.shape_cast %get3A_15 : vector<1x10000x128xf32> to vector<10000x128xf32>
    %get3A_17 = arith.constant 1 : index
    %get3A_18 = arith.constant 0 : index
    %get3A_19 = arith.constant 0 : index
    %get3A_20 = vector.load %arg0[%get3A_17, %get3A_18, %get3A_19] : memref<2x10112x128xf32, #tpu.memory_space<vmem>>, vector<1x10000x128xf32>
    %get3A_21 = vector.shape_cast %get3A_20 : vector<1x10000x128xf32> to vector<10000x128xf32>
    %add3A_22 = arith.addf %get3A_16, %get3A_21 : vector<10000x128xf32>
    %get3A_23 = arith.constant 0 : index
    %get3A_24 = arith.constant 0 : index
    %get3A_25 = vector.load %arg2[%get3A_23, %get3A_24] : memref<10000x128xf32, #tpu.memory_space<vmem>>, vector<10000x128xf32>
    %add3A_26 = arith.addf %add3A_22, %get3A_25 : vector<10000x128xf32>
    %mul3A = vector.broadcast %rsqrt3A : vector<10000x1xf32> to vector<10000x128xf32>
    %mul3A_27 = arith.mulf %add3A_26, %mul3A : vector<10000x128xf32>
    %get3A_28 = arith.constant 0 : index
    %get3A_29 = arith.constant 0 : index
    %get3A_30 = vector.load %arg4[%get3A_28, %get3A_29] : memref<1x128xf32, #tpu.memory_space<vmem>>, vector<1x128xf32>
    %add3A_31 = vector.broadcast %get3A_30 : vector<1x128xf32> to vector<10000x128xf32>
    %add3A_32 = arith.addf %mul3A_27, %add3A_31 : vector<10000x128xf32>
    %reduce_sum3A = arith.constant dense<0.000000e+00> : vector<128xf32>
    %reduce_sum3A_33 = vector.multi_reduction <add>, %add3A_32, %reduce_sum3A [0] : vector<10000x128xf32> to vector<128xf32>
    %broadcast_in_dim3A = vector.shape_cast %reduce_sum3A_33 : vector<128xf32> to vector<1x128xf32>
    %div3A = arith.constant 1.000000e+04 : f32
    %div3A_34 = vector.broadcast %div3A : f32 to vector<1x128xf32>
    %div3A_35 = arith.divf %broadcast_in_dim3A, %div3A_34 : vector<1x128xf32>
    %sub3A = vector.broadcast %div3A_35 : vector<1x128xf32> to vector<10000x128xf32>
    %sub3A_36 = arith.subf %add3A_32, %sub3A : vector<10000x128xf32>
    %integer_pow3A = arith.mulf %sub3A_36, %sub3A_36 : vector<10000x128xf32>
    %reduce_sum3A_37 = arith.constant dense<0.000000e+00> : vector<128xf32>
    %reduce_sum3A_38 = vector.multi_reduction <add>, %integer_pow3A, %reduce_sum3A_37 [0] : vector<10000x128xf32> to vector<128xf32>
    %broadcast_in_dim3A_39 = vector.shape_cast %reduce_sum3A_38 : vector<128xf32> to vector<1x128xf32>
    %div3A_40 = arith.constant 1.000000e+04 : f32
    %div3A_41 = vector.broadcast %div3A_40 : f32 to vector<1x128xf32>
    %div3A_42 = arith.divf %broadcast_in_dim3A_39, %div3A_41 : vector<1x128xf32>
    %sub3A_43 = vector.broadcast %div3A_35 : vector<1x128xf32> to vector<10000x128xf32>
    %sub3A_44 = arith.subf %add3A_32, %sub3A_43 : vector<10000x128xf32>
    %add3A_45 = arith.constant 9.99999974E-6 : f32
    %add3A_46 = vector.broadcast %add3A_45 : f32 to vector<1x128xf32>
    %add3A_47 = arith.addf %div3A_42, %add3A_46 : vector<1x128xf32>
    %rsqrt3A_48 = math.rsqrt %add3A_47 : vector<1x128xf32>
    %mul3A_49 = vector.broadcast %rsqrt3A_48 : vector<1x128xf32> to vector<10000x128xf32>
    %mul3A_50 = arith.mulf %sub3A_44, %mul3A_49 : vector<10000x128xf32>
    %get3A_51 = arith.constant 0 : index
    %get3A_52 = arith.constant 0 : index
    %get3A_53 = vector.load %arg5[%get3A_51, %get3A_52] : memref<1x128xf32, #tpu.memory_space<vmem>>, vector<1x128xf32>
    %mul3A_54 = vector.broadcast %get3A_53 : vector<1x128xf32> to vector<10000x128xf32>
    %mul3A_55 = arith.mulf %mul3A_50, %mul3A_54 : vector<10000x128xf32>
    %get3A_56 = arith.constant 0 : index
    %get3A_57 = arith.constant 0 : index
    %get3A_58 = vector.load %arg6[%get3A_56, %get3A_57] : memref<1x128xf32, #tpu.memory_space<vmem>>, vector<1x128xf32>
    %add3A_59 = vector.broadcast %get3A_58 : vector<1x128xf32> to vector<10000x128xf32>
    %add3A_60 = arith.addf %mul3A_55, %add3A_59 : vector<10000x128xf32>
    %max3A = arith.constant 0.000000e+00 : f32
    %max3A_61 = vector.broadcast %max3A : f32 to vector<10000x128xf32>
    %max3A_62 = arith.maximumf %add3A_60, %max3A_61 : vector<10000x128xf32>
    %get3A_63 = arith.constant 0 : index
    %get3A_64 = arith.constant 0 : index
    %get3A_65 = vector.load %arg3[%get3A_63, %get3A_64] : memref<10000x128xf32, #tpu.memory_space<vmem>>, vector<10000x128xf32>
    %add3A_66 = arith.addf %max3A_62, %get3A_65 : vector<10000x128xf32>
    %swap3A = arith.constant 0 : index
    %swap3A_67 = arith.constant 0 : index
    %swap3A_68 = vector.load %arg7[%swap3A, %swap3A_67] : memref<10000x128xf32, #tpu.memory_space<vmem>>, vector<10000x128xf32>
    tpu.vector_store %arg7[%swap3A, %swap3A_67], %add3A_66 {strides = array<i32>} : memref<10000x128xf32, #tpu.memory_space<vmem>>, vector<10000x128xf32>,
    return
  }
}

</mosaic_0001>

<sc_bundles>
// kernel: kernel.10.cloned.1.call-start
scs
__scs_entry_jumppad:
0x0: {  	(pc) =	sbr.rel $0x88, $3  }
0x1: {  	(tag) =	ssettag $0x0;
	lr =	simm.s32 $0x1  }
0x2: {  	[smem:$0x3F9B] =	sst lr;
	_ =	strace $0xD0000000  }
0x3: {  	_ = 	snop  }
0x4: {  	_ = 	snop  }
0x5: {  	_ = 	snop  }
0x6: {  	_ = 	snop  }
0x7: {  	_ = 	snop  }
__scs_overlays_trampoline_lowered:
0x8: {  	[smem:$0x3FAA] =	sst s0  }
0x9: {  	[smem:$0x3FAB] =	sst s1  }
0xa: {  	[smem:$0x3FAC] =	sst s2  }
0xb: {  	[smem:$0x3FAD] =	sst s3  }
0xc: {  	[smem:$0x3FAE] =	sst s4  }
0xd: {  	[smem:$0x3FAF] =	sst s5  }
0xe: {  	[smem:$0x3FB0] =	sst s6  }
0xf: {  	[smem:$0x3FB1] =	sst s7  }
0x10: {  	[smem:$0x3FB2] =	sst s8  }
0x11: {  	[smem:$0x3FB3] =	sst s9;
	s0 =	simm.s32 @!p0 $0x0  }
0x12: {  	s1 =	sld [smem:$0x3F99];
	s0 =	simm.s32 @p0 $0x1  }
0x13: {  	[smem:$0x3FB4] =	sst s0;
	s0 =	simm.s32 @!p1 $0x0  }
0x14: {  	s2 =	sld [smem:$0x3F98];
	s0 =	simm.s32 @p1 $0x1  }
0x15: {  	[smem:$0x3FB5] =	sst s0;
	s0 =	simm.s32 @!p2 $0x0  }
0x16: {  	s3 =	sld [smem:$0x3FDB];
	s0 =	simm.s32 @p2 $0x1  }
0x17: {  	s4 =	simm.s32 $0x1BF5;
	[smem:$0x3FB7] =	sst s0  }
0x18: {  	s0 =	sld [smem:$0x3F9A];
	_ =	swait.ge [sflag:s4], $0x0  }
0x19: {  	s7 =	sld [smem:$0x3F9B]  }
0x1a: {  	s8 =	sadd.s32 $0xFFFFE003, lr  }
0x1b: {  	s9 =	sadd.s32 $0xFFFFFEF7, lr;
	s5 =	simm.s32 $0xFFFFFFFF;
	p2 =	slt.u32 s8, $0xFFFFF086  }
0x1c: {  	p1 =	slt.u32 s9, $0xF7A;
	s5 =	simm.s32 @!p2 $0x0  }
0x1d: {  	s5 =	simm.s32 @p1 $0x1;
	p0 =	seq.s32 s7, s2  }
0x1e: {  	s7 =	smul.u32 @!p0 $0xF7A, s2;
	p2 =	seq.s32 @!p0 s5, $0x0  }
0x1f: {  	s9 =	smul.u32 $0xF7A, s1;
	s8 =	simm.s32 @!p0 $0x1BF5;
	p2 =	por !p2, p0  }
0x20: {  	[sflag:s8] =	ssyncset.s32 @!p0 $0xFFFFF086;
	s6 =	sadd.s32 @!p0 s3, s7;
	s7 =	simm.s32 @!p0 $0x108  }
0x21: {  	s3 =	sadd.s32 s3, s9;
	s6 =	sadd.s32 @!p0 $0x88, s6;
	s7 =	simm.s32 @p2 $0x1082  }
0x22: {  	[simem:s7], [sflag:s8] =	dma.local @!p0 [hbm:s6], $0xF7A  }
0x23: {  	s9 =	sor.u32 $0xD0000000, s2;
	s6 =	simm.s32 $0x108;
	_ =	swait.ge @!p0 [sflag:s8], $0x0  }
0x24: {  	s3 =	sadd.s32 $0x88, s3;
	s6 =	simm.s32 @!p1 $0x1082;
	[sflag:s4] =	ssyncset.s32 $0xFFFFF086  }
0x25: {  	[simem:s6], [sflag:s4] =	dma.local [hbm:s3], $0xF7A  }
0x26: {  	[smem:$0x3F9B] =	sst s1;
	(tag) =	ssettag s2;
	_ =	strace s9  }
0x27: {  	s1 =	sld [smem:$0x3FAB]  }
0x28: {  	s2 =	sld [smem:$0x3FAC]  }
0x29: {  	s4 =	sld [smem:$0x3FAE]  }
0x2a: {  	p0 =	seq.s32 s5, $0x0;
	s5 =	sld [smem:$0x3FAF]  }
0x2b: {  	s6 =	sld [smem:$0x3FB0]  }
0x2c: {  	s7 =	sld [smem:$0x3FB1]  }
0x2d: {  	s3 =	simm.s32 $0x108;
	s8 =	sld [smem:$0x3FB2]  }
0x2e: {  	s3 =	simm.s32 @!p0 $0x1082;
	s9 =	sld [smem:$0x3FB3]  }
0x2f: {  	lr =	sadd.s32 s0, s3;
	s0 =	sld [smem:$0x3FAA]  }
0x30: {  	s3 =	sld [smem:$0x3FAD]  }
0x31: {  	[smem:$0x3FB6] =	sst s10  }
0x32: {  	s10 =	sld [smem:$0x3FB4];
	_ =	sdelay $0x3  }
0x33: {  	p0 =	seq.s32 s10, $0x1;
	s10 =	sld [smem:$0x3FB6];
	_ =	sdelay $0x3  }
0x34: {  	[smem:$0x3FB6] =	sst s10  }
0x35: {  	s10 =	sld [smem:$0x3FB5];
	_ =	sdelay $0x3  }
0x36: {  	p1 =	seq.s32 s10, $0x1;
	s10 =	sld [smem:$0x3FB6];
	_ =	sdelay $0x3  }
0x37: {  	[smem:$0x3FB6] =	sst s10  }
0x38: {  	s10 =	sld [smem:$0x3FB7]  }
0x39: {  	_ = 	snop;
	(pc) =	sbr.ind lr, $3  }
0x3a: {  	_ = 	snop  }
0x3b: {  	_ = 	snop  }
0x3c: {  	p2 =	seq.s32 s10, $0x1;
	s10 =	sld [smem:$0x3FB6]  }
0x3d: {  	_ =	shalt  }
0x3e: {  	_ =	shalt  }
0x3f: {  	_ =	shalt  }
0x40: {  	_ =	shalt  }
0x41: {  	_ =	shalt  }
0x42: {  	_ =	shalt  }
0x43: {  	_ =	shalt  }
0x44: {  	_ =	shalt  }
0x45: {  	_ =	shalt  }
0x46: {  	_ =	shalt  }
0x47: {  	_ =	shalt  }
0x48: {  	_ =	shalt  }
0x49: {  	_ =	shalt  }
0x4a: {  	_ =	shalt  }
0x4b: {  	_ =	shalt  }
0x4c: {  	_ =	shalt  }
0x4d: {  	_ =	shalt  }
0x4e: {  	_ =	shalt  }
0x4f: {  	_ =	shalt  }
0x50: {  	_ =	shalt  }
0x51: {  	_ =	shalt  }
0x52: {  	_ =	shalt  }
0x53: {  	_ =	shalt  }
0x54: {  	_ =	shalt  }
0x55: {  	_ =	shalt  }
0x56: {  	_ =	shalt  }
0x57: {  	_ =	shalt  }
0x58: {  	_ =	shalt  }
0x59: {  	_ =	shalt  }
0x5a: {  	_ =	shalt  }
0x5b: {  	_ =	shalt  }
0x5c: {  	_ =	shalt  }
0x5d: {  	_ =	shalt  }
0x5e: {  	_ =	shalt  }
0x5f: {  	_ =	shalt  }
0x60: {  	_ =	shalt  }
0x61: {  	_ =	shalt  }
0x62: {  	_ =	shalt  }
0x63: {  	_ =	shalt  }
0x64: {  	_ =	shalt  }
0x65: {  	_ =	shalt  }
0x66: {  	_ =	shalt  }
0x67: {  	_ =	shalt  }
0x68: {  	_ =	shalt  }
0x69: {  	_ =	shalt  }
0x6a: {  	_ =	shalt  }
0x6b: {  	_ =	shalt  }
0x6c: {  	_ =	shalt  }
0x6d: {  	_ =	shalt  }
0x6e: {  	_ =	shalt  }
0x6f: {  	_ =	shalt  }
0x70: {  	_ =	shalt  }
0x71: {  	_ =	shalt  }
0x72: {  	_ =	shalt  }
0x73: {  	_ =	shalt  }
0x74: {  	_ =	shalt  }
0x75: {  	_ =	shalt  }
0x76: {  	_ =	shalt  }
0x77: {  	_ =	shalt  }
0x78: {  	_ =	shalt  }
0x79: {  	_ =	shalt  }
0x7a: {  	_ =	shalt  }
0x7b: {  	_ =	shalt  }
0x7c: {  	_ =	shalt  }
0x7d: {  	_ =	shalt  }
0x7e: {  	_ =	shalt  }
0x7f: {  	_ =	shalt  }
0x80: {  	_ =	shalt  }
0x81: {  	_ =	shalt  }
0x82: {  	_ =	shalt  }
0x83: {  	_ =	shalt  }
0x84: {  	_ =	shalt  }
0x85: {  	_ =	shalt  }
0x86: {  	_ =	shalt  }
0x87: {  	_ =	shalt  }
.Lfunc_end0:
.L_simem_size_0:
called_computation.1_lowered:
.L_overlay_start_0:
0x88: {  	s2 =	sld [smem:$0x3FD9]  }
0x89: {  	s3 =	sld [smem:$0x3FFE];
	_ =	sdelay $0x1  }
0x8a: {  	s1 =	srdreg.scid  }
0x8b: {  	s0 =	sand.u32 $0x1, s1  }
0x8c: {  	s17 =	sshll.u32 s0, $0xA;
	s2 =	sadd.s32 s3, s2  }
0x8d: {  	s2 =	sadd.s32 s2, s17  }
0x8e: {  	[smem:$0x3FC2] =	sst s2  }
0x8f: {  	_ = 	snop  }
0x90: {  	s2 =	sld [smem:$0x3FD0];
	(tm) =	ssettm $0x1  }
0x91: {  	s18 =	sld [smem:$0x3FFB];
	_ =	sdelay $0x3  }
0x92: {  	_ =	strace s18  }
0x93: {  	s3 =	sld [smem:$0x3FFC];
	_ =	sdelay $0x3  }
0x94: {  	_ =	strace s3  }
0x95: {  	s3 =	sld [smem:$0x3FFD];
	_ =	sdelay $0x3  }
0x96: {  	_ =	strace s3  }
0x97: {  	_ =	strace $0x8FFFFFFF  }
0x98: {  	s19 =	sld [smem:$0x3FDB];
	_ =	sdelay $0x1  }
0x99: {  	s4 =	simm.s32 $_scs_section_size  }
0x9a: {  	s5 =	simm.s32 $_size__tile_overlayer_lowered;
	s6 =	simm.s32 $_tile_overlayer_lowered  }
0x9b: {  	s22 =	simm.s32 $0x1BFF;
	s21 =	sshll.u32 s6, $0x1;
	s3 =	sadd.s32 s4, s19  }
0x9c: {  	s7 =	simm.s32 $0x0;
	s20 =	sshll.u32 s5, $0x1;
	s5 =	sadd.s32 s21, s3  }
0x9d: {  	[timem:s7], [sflag:s22] =	dma.local [hbm:s5], s20  }
0x9e: {  	_ =	swait.ge [sflag:s22], s20  }
0x9f: {  	s4 =	ssub.s32 $0x0, s20;
	[sflag:s22] =	ssyncset.done $0x0  }
0xa0: {  	[sflag:s22] =	ssyncadd.s32 s4;
	_ =	sdelay $0x1  }
0xa1: {  	s23 =	simm.s32 $0x1B8B  }
0xa2: {  	_ =	swait.ge [sflag:s23], $0x1  }
0xa3: {  	[sflag:s23] =	ssyncset.done $0x0  }
0xa4: {  	s25 =	simm.s32 $0x1B8E;
	s24 =	sld [smem:$0x3FFE];
	[sflag:s23] =	ssyncadd.s32 $0xFFFFFFFF  }
0xa5: {  	s26 =	simm.s32 $execute0_lowered;
	[smem:$0x3FD2] =	sst s25  }
0xa6: {  	s5 =	sshll.u32 s26, $0x1;
	_ =	strace $0x80000049;
	[dreg:$0x1] =	wrdreg $0xFFFFFFFF  }
0xa7: {  	s28 =	simm.s32 $_size_execute0_lowered;
	s3 =	sadd.s32 s3, s5;
	[dreg:$0x0] =	wrdreg $0x0  }
0xa8: {  	s5 =	sshll.u32 s28, $0x1;
	[dreg:$0x2] =	wrdreg s3  }
0xa9: {  	[dreg:$0x3] =	wrdreg s5  }
0xaa: {  	[dreg:$0x4] =	wrdreg $0xC0  }
0xab: {  	_ =	task [dreg:s7], $0x5FFFF  }
0xac: {  	[dreg:$0x1] =	wrdreg $0xFFFFFFFF  }
0xad: {  	[dreg:$0x0] =	wrdreg $0x60  }
0xae: {  	[dreg:$0x2] =	wrdreg s2  }
0xaf: {  	[dreg:$0x3] =	wrdreg s24  }
0xb0: {  	[dreg:$0x4] =	wrdreg $0xAC000  }
0xb1: {  	[dreg:$0x5] =	wrdreg $0x9  }
0xb2: {  	_ =	task.clear_ibuf [dreg:s7], $0x6FFFF;
	_ =	strace $0x90000049  }
0xb3: {  	s29 =	simm.s32 $0x9;
	_ =	strace $0x8000004B  }
0xb4: {  	_ =	swait.ge [sflag:s29], $0x1  }
0xb5: {  	[sflag:s29] =	ssyncadd.s32 $0xFFFFFFFF  }
0xb6: {  	_ =	strace $0x9000004B  }
0xb7: {  	_ =	sfence  }
0xb8: {  	s30 =	sld [smem:$0x0];
	_ =	sdelay $0x2  }
0xb9: {  	s31 =	sshll.u32 s1, $0xD;
	s1 =	sshrl.u32 s1, $0x2  }
0xba: {  	s3 =	sand.u32 $0x4000, s31;
	s1 =	sadd.s32 s1, s30  }
0xbb: {  	s0 =	sor.u32 s3, s0;
	s1 =	sshll.u32 s1, $0x11  }
0xbc: {  	s0 =	sor.u32 s1, s0  }
0xbd: {  	s0 =	sadd.s32 $0x8F2B, s0  }
0xbe: {  	[sflag:s0] =	ssyncadd.remote.s32 $0x1  }
0xbf: {  	_ =	sfence.sel $0xFFFF  }
0xc0: {  	[dreg:$0x0] =	wrdreg $0xFFFFFFFF;
	(pc) =	sbr.abs _section_cstart, $3  }
0xc1: {  	[dreg:$0x1] =	wrdreg $0xFFFFFFFF  }
0xc2: {  	_ =	task.clear_ibuf [dreg:s7], $0x2FFFF;
	_ =	strace $0x9FFFFFFF  }
0xc3: {  	(tm) =	ssettm $0x7FFFFFFF  }
tec
execute0_lowered:
.L_overlay_start_1:
0x0: {  	(tag) =	ssettag $0x1  }
0x1: {  	s0 =	srdreg.scid;
	s1 =	rddreg [dreg:$0x0]  }
0x2: {  	s15 =	stileid.u32;
	s5 =	rddreg [dreg:$0x1]  }
0x3: {  	s3 =	rddreg [dreg:$0x2];
	s4 =	simm.s32 $0x0;
	s16 =	simm.s32 $0x2C00  }
0x4: {  	s17 =	simm.s32 $0x1;
	s18 =	simm.s32 $0x6C00;
	s19 =	simm.s32 $0x3  }
0x5: {  	s20 =	simm.s32 $0x2;
	s21 =	simm.s32 $0x2880;
	s22 =	simm.s32 $0x2900  }
0x6: {  	s23 =	simm.s32 $0x2980;
	s28 =	simm.s32 $0x2B80;
	s6 =	smul.u32 $0x13C00, s15  }
0x7: {  	s31 =	simm.s32 $0x0;
	s0 =	sand.u32 $0x1, s0;
	s10 =	smul.u32 $0x4F000, s15  }
0x8: {  	[smem:$0x7FF] =	sst s4;
	s11 =	sadd.s32 $0x1800, s5;
	s29 =	smul.u32 $0x2800, s15  }
0x9: {  	s30 =	sshll.u32 s15, $0x6;
	s2 =	sshll.u32 s0, $0x4;
	s7 =	smul.u32 $0x13C000, s0  }
0xa: {  	_ =	strace $0x8000004A;
	s24 =	ssub.s32 $0x2, s0;
	s0 =	smul.u32 $0x28000, s0  }
0xb: {  	s2 =	sor.u32 s15, s2;
	s9 =	sshrl.u32 s6, $0x3;
	s25 =	sshrl.u32 s24, $0x1  }
0xc: {  	s26 =	sshrl.u32 s10, $0x2;
	s15 =	simm.s32 $0x80;
	s2 =	smul.u32 $0x2800, s2  }
0xd: {  	s9 =	sadd.s32 s9, s5;
	s6 =	sadd.s32 s6, s7;
	s13 =	ssub.s32 s24, s25  }
0xe: {  	s14 =	sadd.s32 s26, s3;
	s0 =	sadd.s32 s29, s0;
	s24 =	simm.s32 $0x2A00  }
0xf: {  	s25 =	simm.s32 $0x2A80;
	s26 =	simm.s32 $0x2B00;
	s6 =	sshrl.u32 s6, $0x3  }
0x10: {  	s0 =	sshrl.u32 s0, $0x3;
	s10 =	smax.u32 s13, $0x1;
	s13 =	simm.s32 $0x4  }
0x11: {  	s2 =	sshrl.u32 s2, $0x3;
	s12 =	sadd.s32 s6, s5;
	s6 =	sor.u32 $0x1C04, s30  }
0x12: {  	s0 =	sadd.s32 s0, s11;
	s8 =	sadd.s32 s2, s5;
	s5 =	sadd.s32 $0xB800, s9  }
0x13: {  	s2 =	sadd.s32 s11, s2;
	s9 =	sadd.s32 $0x8C000, s12;
	s12 =	sshrl.u32 s14, $0x3  }
0x14: {  	s14 =	simm.s32 $0x2800;
	s7 =	sadd.s32 $0x82000, s8;
	s8 =	sadd.s32 $0x480, s2  }
.LBB2_1:
0x15: {  	[spmem:s12], [sflag:s6] =	dma.local [hbm:s5], $0x2780  }
0x16: {  	_ =	swait.ge [sflag:s13], $0x2780  }
0x17: {  	[sflag:s13] =	ssyncset.done $0x0  }
0x18: {  	[sflag:s13] =	ssyncadd.s32 $0xFFFFD880  }
0x19: {  	[tilespmem:s4], [sflag:$0x4] =	stream.linear.gather [hbm4b:s7+s4], $0x2780, $0x38;
	[tilespmem:$0x1E800] =	vst v63  }
0x1a: {  	_ =	swait.ge [sflag:s13], $0x2780  }
0x1b: {  	[sflag:s13] =	ssyncset.done $0x0  }
0x1c: {  	[sflag:s13] =	ssyncadd.s32 $0xFFFFD880  }
0x1d: {  	[bflag:$0x0] =	sbarrier.arrive $0xFFFF  }
0x1e: {  	[tilespmem:s14], [sflag:$0x3] =	stream.linear.gather [hbm4b:s0+s4], $0x400, $0x38;
	[tilespmem:$0x1E800] =	vst v63  }
0x1f: {  	s2 =	simm.s32 $0x0  }
0x20: {  	[tilespmem:s16], [sflag:$0x1] =	stream.indirect.gather [hbm4b:s1+s15], $0x80, s2, s15, $0xb8;
	[tilespmem:$0x1E800] =	vst v63  }
0x21: {  	_ =	swait.ge [sflag:s17], $0x4000  }
0x22: {  	[sflag:s17] =	ssyncset.done $0x0  }
0x23: {  	s30 =	simm.s32 $0x80;
	[sflag:s17] =	ssyncadd.s32 $0xFFFFC000  }
0x24: {  	[tilespmem:s18], [sflag:$0x1] =	stream.indirect.gather [hbm4b:s1+s15], $0x80, s30, s15, $0xb8;
	[tilespmem:$0x1E800] =	vst v63  }
0x25: {  	_ =	swait.ge [sflag:s19], $0x400  }
0x26: {  	[sflag:s19] =	ssyncset.done $0x0  }
0x27: {  	[sflag:s19] =	ssyncadd.s32 $0xFFFFFC00  }
0x28: {  	[spmem:s3] =	stream.indirect.scatter.add.f32 [tilespmem:s16], [sflag:$0x2], $0x80, s14, s15, $0xb8;
	[tilespmem:$0x1E800] =	vst v63  }
0x29: {  	_ =	swait.ge [sflag:s17], $0x4000  }
0x2a: {  	[sflag:s17] =	ssyncset.done $0x0  }
0x2b: {  	[sflag:s17] =	ssyncadd.s32 $0xFFFFC000  }
0x2c: {  	_ =	swait.ge [sflag:s20], $0x4000  }
0x2d: {  	[sflag:s20] =	ssyncset.done $0x0  }
0x2e: {  	s11 =	simm.s32 $0x100;
	[sflag:s20] =	ssyncadd.s32 $0xFFFFC000  }
0x2f: {  	[tilespmem:s16], [sflag:$0x1] =	stream.indirect.gather [hbm4b:s1+s15], $0x80, s11, s15, $0xb8;
	[tilespmem:$0x1E800] =	vst v63  }
0x30: {  	_ = 	snop  }
0x31: {  	[spmem:s3] =	stream.indirect.scatter.add.f32 [tilespmem:s18], [sflag:$0x2], $0x80, s21, s15, $0xb8;
	[tilespmem:$0x1E800] =	vst v63  }
0x32: {  	_ =	swait.ge [sflag:s17], $0x4000  }
0x33: {  	[sflag:s17] =	ssyncset.done $0x0  }
0x34: {  	[sflag:s17] =	ssyncadd.s32 $0xFFFFC000  }
0x35: {  	_ =	swait.ge [sflag:s20], $0x4000  }
0x36: {  	[sflag:s20] =	ssyncset.done $0x0  }
0x37: {  	s29 =	simm.s32 $0x180;
	[sflag:s20] =	ssyncadd.s32 $0xFFFFC000  }
0x38: {  	[tilespmem:s18], [sflag:$0x1] =	stream.indirect.gather [hbm4b:s1+s15], $0x80, s29, s15, $0xb8;
	[tilespmem:$0x1E800] =	vst v63  }
0x39: {  	_ = 	snop  }
0x3a: {  	[spmem:s3] =	stream.indirect.scatter.add.f32 [tilespmem:s16], [sflag:$0x2], $0x80, s22, s15, $0xb8;
	[tilespmem:$0x1E800] =	vst v63  }
0x3b: {  	_ =	swait.ge [sflag:s17], $0x4000  }
0x3c: {  	[sflag:s17] =	ssyncset.done $0x0  }
0x3d: {  	[sflag:s17] =	ssyncadd.s32 $0xFFFFC000  }
0x3e: {  	_ =	swait.ge [sflag:s20], $0x4000  }
0x3f: {  	[sflag:s20] =	ssyncset.done $0x0  }
0x40: {  	s30 =	simm.s32 $0x200;
	[sflag:s20] =	ssyncadd.s32 $0xFFFFC000  }
0x41: {  	[tilespmem:s16], [sflag:$0x1] =	stream.indirect.gather [hbm4b:s1+s15], $0x80, s30, s15, $0xb8;
	[tilespmem:$0x1E800] =	vst v63  }
0x42: {  	_ = 	snop  }
0x43: {  	[spmem:s3] =	stream.indirect.scatter.add.f32 [tilespmem:s18], [sflag:$0x2], $0x80, s23, s15, $0xb8;
	[tilespmem:$0x1E800] =	vst v63  }
0x44: {  	_ =	swait.ge [sflag:s17], $0x4000  }
0x45: {  	[sflag:s17] =	ssyncset.done $0x0  }
0x46: {  	[sflag:s17] =	ssyncadd.s32 $0xFFFFC000  }
0x47: {  	_ =	swait.ge [sflag:s20], $0x4000  }
0x48: {  	[sflag:s20] =	ssyncset.done $0x0  }
0x49: {  	s11 =	simm.s32 $0x280;
	[sflag:s20] =	ssyncadd.s32 $0xFFFFC000  }
0x4a: {  	[tilespmem:s18], [sflag:$0x1] =	stream.indirect.gather [hbm4b:s1+s15], $0x80, s11, s15, $0xb8;
	[tilespmem:$0x1E800] =	vst v63  }
0x4b: {  	_ = 	snop  }
0x4c: {  	[spmem:s3] =	stream.indirect.scatter.add.f32 [tilespmem:s16], [sflag:$0x2], $0x80, s24, s15, $0xb8;
	[tilespmem:$0x1E800] =	vst v63  }
0x4d: {  	_ =	swait.ge [sflag:s17], $0x4000  }
0x4e: {  	[sflag:s17] =	ssyncset.done $0x0  }
0x4f: {  	[sflag:s17] =	ssyncadd.s32 $0xFFFFC000  }
0x50: {  	_ =	swait.ge [sflag:s20], $0x4000  }
0x51: {  	[sflag:s20] =	ssyncset.done $0x0  }
0x52: {  	s29 =	simm.s32 $0x300;
	[sflag:s20] =	ssyncadd.s32 $0xFFFFC000  }
0x53: {  	[tilespmem:s16], [sflag:$0x1] =	stream.indirect.gather [hbm4b:s1+s15], $0x80, s29, s15, $0xb8;
	[tilespmem:$0x1E800] =	vst v63  }
0x54: {  	_ = 	snop  }
0x55: {  	[spmem:s3] =	stream.indirect.scatter.add.f32 [tilespmem:s18], [sflag:$0x2], $0x80, s25, s15, $0xb8;
	[tilespmem:$0x1E800] =	vst v63  }
0x56: {  	_ =	swait.ge [sflag:s17], $0x4000  }
0x57: {  	[sflag:s17] =	ssyncset.done $0x0  }
0x58: {  	[sflag:s17] =	ssyncadd.s32 $0xFFFFC000  }
0x59: {  	_ =	swait.ge [sflag:s20], $0x4000  }
0x5a: {  	[sflag:s20] =	ssyncset.done $0x0  }
0x5b: {  	s30 =	simm.s32 $0x380;
	[sflag:s20] =	ssyncadd.s32 $0xFFFFC000  }
0x5c: {  	[tilespmem:s18], [sflag:$0x1] =	stream.indirect.gather [hbm4b:s1+s15], $0x80, s30, s15, $0xb8;
	[tilespmem:$0x1E800] =	vst v63  }
0x5d: {  	_ = 	snop  }
0x5e: {  	[spmem:s3] =	stream.indirect.scatter.add.f32 [tilespmem:s16], [sflag:$0x2], $0x80, s26, s15, $0xb8;
	[tilespmem:$0x1E800] =	vst v63  }
0x5f: {  	_ =	swait.ge [sflag:s17], $0x4000  }
0x60: {  	[sflag:s17] =	ssyncset.done $0x0  }
0x61: {  	[sflag:s17] =	ssyncadd.s32 $0xFFFFC000  }
0x62: {  	_ =	swait.ge [sflag:s20], $0x4000  }
0x63: {  	[sflag:s20] =	ssyncset.done $0x0  }
0x64: {  	[sflag:s20] =	ssyncadd.s32 $0xFFFFC000  }
0x65: {  	[spmem:s3] =	stream.indirect.scatter.add.f32 [tilespmem:s18], [sflag:$0x2], $0x80, s28, s15, $0xb8;
	[tilespmem:$0x1E800] =	vst v63  }
0x66: {  	_ =	swait.ge [sflag:s20], $0x4000  }
0x67: {  	s2 =	simm.s32 $0x1000;
	s11 =	smov.u32 s0;
	[sflag:s20] =	ssyncset.done $0x0  }
.LBB2_2:
0x68: {  	p0 =	sne.s32 s2, $0x8000;
	[sflag:s20] =	ssyncadd.s32 $0xFFFFC000;
	s11 =	sadd.s32 $0x80, s11  }
0x69: {  	[tilespmem:s14], [sflag:$0x3] =	stream.linear.gather [hbm4b:s11+s4], $0x400, $0x38;
	[tilespmem:$0x1E800] =	vst v63  }
0x6a: {  	s29 =	sshra.s32 s2, $0x2;
	s2 =	sadd.s32 $0x1000, s2  }
0x6b: {  	[tilespmem:s16], [sflag:$0x1] =	stream.indirect.gather [hbm4b:s1+s15], $0x80, s29, s15, $0xb8;
	[tilespmem:$0x1E800] =	vst v63  }
0x6c: {  	_ =	swait.ge [sflag:s17], $0x4000  }
0x6d: {  	[sflag:s17] =	ssyncset.done $0x0  }
0x6e: {  	s30 =	sadd.s32 $0x80, s29;
	[sflag:s17] =	ssyncadd.s32 $0xFFFFC000  }
0x6f: {  	[tilespmem:s18], [sflag:$0x1] =	stream.indirect.gather [hbm4b:s1+s15], $0x80, s30, s15, $0xb8;
	[tilespmem:$0x1E800] =	vst v63  }
0x70: {  	_ =	swait.ge [sflag:s19], $0x400  }
0x71: {  	[sflag:s19] =	ssyncset.done $0x0  }
0x72: {  	[sflag:s19] =	ssyncadd.s32 $0xFFFFFC00  }
0x73: {  	[spmem:s3] =	stream.indirect.scatter.add.f32 [tilespmem:s16], [sflag:$0x2], $0x80, s14, s15, $0xb8;
	[tilespmem:$0x1E800] =	vst v63  }
0x74: {  	_ =	swait.ge [sflag:s17], $0x4000  }
0x75: {  	[sflag:s17] =	ssyncset.done $0x0  }
0x76: {  	[sflag:s17] =	ssyncadd.s32 $0xFFFFC000  }
0x77: {  	_ =	swait.ge [sflag:s20], $0x4000  }
0x78: {  	[sflag:s20] =	ssyncset.done $0x0  }
0x79: {  	s30 =	sadd.s32 $0x100, s29;
	[sflag:s20] =	ssyncadd.s32 $0xFFFFC000  }
0x7a: {  	[tilespmem:s16], [sflag:$0x1] =	stream.indirect.gather [hbm4b:s1+s15], $0x80, s30, s15, $0xb8;
	[tilespmem:$0x1E800] =	vst v63  }
0x7b: {  	_ = 	snop  }
0x7c: {  	[spmem:s3] =	stream.indirect.scatter.add.f32 [tilespmem:s18], [sflag:$0x2], $0x80, s21, s15, $0xb8;
	[tilespmem:$0x1E800] =	vst v63  }
0x7d: {  	_ =	swait.ge [sflag:s17], $0x4000  }
0x7e: {  	[sflag:s17] =	ssyncset.done $0x0  }
0x7f: {  	[sflag:s17] =	ssyncadd.s32 $0xFFFFC000  }
0x80: {  	_ =	swait.ge [sflag:s20], $0x4000  }
0x81: {  	[sflag:s20] =	ssyncset.done $0x0  }
0x82: {  	s30 =	sadd.s32 $0x180, s29;
	[sflag:s20] =	ssyncadd.s32 $0xFFFFC000  }
0x83: {  	[tilespmem:s18], [sflag:$0x1] =	stream.indirect.gather [hbm4b:s1+s15], $0x80, s30, s15, $0xb8;
	[tilespmem:$0x1E800] =	vst v63  }
0x84: {  	_ = 	snop  }
0x85: {  	[spmem:s3] =	stream.indirect.scatter.add.f32 [tilespmem:s16], [sflag:$0x2], $0x80, s22, s15, $0xb8;
	[tilespmem:$0x1E800] =	vst v63  }
0x86: {  	_ =	swait.ge [sflag:s17], $0x4000  }
0x87: {  	[sflag:s17] =	ssyncset.done $0x0  }
0x88: {  	[sflag:s17] =	ssyncadd.s32 $0xFFFFC000  }
0x89: {  	_ =	swait.ge [sflag:s20], $0x4000  }
0x8a: {  	[sflag:s20] =	ssyncset.done $0x0  }
0x8b: {  	s30 =	sadd.s32 $0x200, s29;
	[sflag:s20] =	ssyncadd.s32 $0xFFFFC000  }
0x8c: {  	[tilespmem:s16], [sflag:$0x1] =	stream.indirect.gather [hbm4b:s1+s15], $0x80, s30, s15, $0xb8;
	[tilespmem:$0x1E800] =	vst v63  }
0x8d: {  	_ = 	snop  }
0x8e: {  	[spmem:s3] =	stream.indirect.scatter.add.f32 [tilespmem:s18], [sflag:$0x2], $0x80, s23, s15, $0xb8;
	[tilespmem:$0x1E800] =	vst v63  }
0x8f: {  	_ =	swait.ge [sflag:s17], $0x4000  }
0x90: {  	[sflag:s17] =	ssyncset.done $0x0  }
0x91: {  	[sflag:s17] =	ssyncadd.s32 $0xFFFFC000  }
0x92: {  	_ =	swait.ge [sflag:s20], $0x4000  }
0x93: {  	[sflag:s20] =	ssyncset.done $0x0  }
0x94: {  	s30 =	sadd.s32 $0x280, s29;
	[sflag:s20] =	ssyncadd.s32 $0xFFFFC000  }
0x95: {  	[tilespmem:s18], [sflag:$0x1] =	stream.indirect.gather [hbm4b:s1+s15], $0x80, s30, s15, $0xb8;
	[tilespmem:$0x1E800] =	vst v63  }
0x96: {  	_ = 	snop  }
0x97: {  	[spmem:s3] =	stream.indirect.scatter.add.f32 [tilespmem:s16], [sflag:$0x2], $0x80, s24, s15, $0xb8;
	[tilespmem:$0x1E800] =	vst v63  }
0x98: {  	_ =	swait.ge [sflag:s17], $0x4000  }
0x99: {  	[sflag:s17] =	ssyncset.done $0x0  }
0x9a: {  	[sflag:s17] =	ssyncadd.s32 $0xFFFFC000  }
0x9b: {  	_ =	swait.ge [sflag:s20], $0x4000  }
0x9c: {  	[sflag:s20] =	ssyncset.done $0x0  }
0x9d: {  	s30 =	sadd.s32 $0x300, s29;
	[sflag:s20] =	ssyncadd.s32 $0xFFFFC000  }
0x9e: {  	[tilespmem:s16], [sflag:$0x1] =	stream.indirect.gather [hbm4b:s1+s15], $0x80, s30, s15, $0xb8;
	[tilespmem:$0x1E800] =	vst v63  }
0x9f: {  	_ = 	snop  }
0xa0: {  	[spmem:s3] =	stream.indirect.scatter.add.f32 [tilespmem:s18], [sflag:$0x2], $0x80, s25, s15, $0xb8;
	[tilespmem:$0x1E800] =	vst v63  }
0xa1: {  	_ =	swait.ge [sflag:s17], $0x4000  }
0xa2: {  	[sflag:s17] =	ssyncset.done $0x0  }
0xa3: {  	[sflag:s17] =	ssyncadd.s32 $0xFFFFC000  }
0xa4: {  	_ =	swait.ge [sflag:s20], $0x4000  }
0xa5: {  	[sflag:s20] =	ssyncset.done $0x0  }
0xa6: {  	s29 =	sadd.s32 $0x380, s29;
	[sflag:s20] =	ssyncadd.s32 $0xFFFFC000  }
0xa7: {  	[tilespmem:s18], [sflag:$0x1] =	stream.indirect.gather [hbm4b:s1+s15], $0x80, s29, s15, $0xb8;
	[tilespmem:$0x1E800] =	vst v63  }
0xa8: {  	_ = 	snop  }
0xa9: {  	[spmem:s3] =	stream.indirect.scatter.add.f32 [tilespmem:s16], [sflag:$0x2], $0x80, s26, s15, $0xb8;
	[tilespmem:$0x1E800] =	vst v63  }
0xaa: {  	_ =	swait.ge [sflag:s17], $0x4000  }
0xab: {  	[sflag:s17] =	ssyncset.done $0x0  }
0xac: {  	[sflag:s17] =	ssyncadd.s32 $0xFFFFC000  }
0xad: {  	_ =	swait.ge [sflag:s20], $0x4000  }
.Ltmp0:
0xae: {  	[sflag:s20] =	ssyncset.done $0x0;
	(pc) =	sbr.rel @p0 .LBB2_2-.Ltmp0, $4  }
0xaf: {  	[sflag:s20] =	ssyncadd.s32 $0xFFFFC000  }
0xb0: {  	[spmem:s3] =	stream.indirect.scatter.add.f32 [tilespmem:s18], [sflag:$0x2], $0x80, s28, s15, $0xb8;
	[tilespmem:$0x1E800] =	vst v63  }
0xb1: {  	_ =	swait.ge [sflag:s20], $0x4000  }
0xb2: {  	[sflag:s20] =	ssyncset.done $0x0  }
0xb3: {  	[sflag:s20] =	ssyncadd.s32 $0xFFFFC000  }
0xb4: {  	[tilespmem:s14], [sflag:$0x4] =	stream.linear.gather [hbm4b:s8+s4], $0x380, $0x38;
	[tilespmem:$0x1E800] =	vst v63  }
0xb5: {  	_ =	swait.ge [sflag:s13], $0x380  }
0xb6: {  	[sflag:s13] =	ssyncset.done $0x0  }
0xb7: {  	s2 =	simm.s32 $0x2400;
	[sflag:s13] =	ssyncadd.s32 $0xFFFFFC80  }
0xb8: {  	[tilespmem:s16], [sflag:$0x1] =	stream.indirect.gather [hbm4b:s1+s15], $0x80, s2, s15, $0xb8;
	[tilespmem:$0x1E800] =	vst v63  }
0xb9: {  	_ =	swait.ge [sflag:s17], $0x4000  }
0xba: {  	[sflag:s17] =	ssyncset.done $0x0  }
0xbb: {  	[sflag:s17] =	ssyncadd.s32 $0xFFFFC000  }
0xbc: {  	[spmem:s3] =	stream.indirect.scatter.add.f32 [tilespmem:s16], [sflag:$0x2], $0x80, s14, s15, $0xb8;
	[tilespmem:$0x1E800] =	vst v63  }
0xbd: {  	_ =	swait.ge [sflag:s20], $0x4000  }
0xbe: {  	[sflag:s20] =	ssyncset.done $0x0  }
0xbf: {  	s11 =	simm.s32 $0x2480;
	[sflag:s20] =	ssyncadd.s32 $0xFFFFC000  }
0xc0: {  	[tilespmem:s18], [sflag:$0x1] =	stream.indirect.gather [hbm4b:s1+s15], $0x80, s11, s15, $0xb8;
	[tilespmem:$0x1E800] =	vst v63  }
0xc1: {  	_ =	swait.ge [sflag:s17], $0x4000  }
0xc2: {  	[sflag:s17] =	ssyncset.done $0x0  }
0xc3: {  	[sflag:s17] =	ssyncadd.s32 $0xFFFFC000  }
0xc4: {  	[spmem:s3] =	stream.indirect.scatter.add.f32 [tilespmem:s18], [sflag:$0x2], $0x80, s21, s15, $0xb8;
	[tilespmem:$0x1E800] =	vst v63  }
0xc5: {  	_ =	swait.ge [sflag:s20], $0x4000  }
0xc6: {  	[sflag:s20] =	ssyncset.done $0x0  }
0xc7: {  	s29 =	simm.s32 $0x2500;
	[sflag:s20] =	ssyncadd.s32 $0xFFFFC000  }
0xc8: {  	[tilespmem:s16], [sflag:$0x1] =	stream.indirect.gather [hbm4b:s1+s15], $0x80, s29, s15, $0xb8;
	[tilespmem:$0x1E800] =	vst v63  }
0xc9: {  	_ =	swait.ge [sflag:s17], $0x4000  }
0xca: {  	[sflag:s17] =	ssyncset.done $0x0  }
0xcb: {  	[sflag:s17] =	ssyncadd.s32 $0xFFFFC000  }
0xcc: {  	[spmem:s3] =	stream.indirect.scatter.add.f32 [tilespmem:s16], [sflag:$0x2], $0x80, s22, s15, $0xb8;
	[tilespmem:$0x1E800] =	vst v63  }
0xcd: {  	_ =	swait.ge [sflag:s20], $0x4000  }
0xce: {  	[sflag:s20] =	ssyncset.done $0x0  }
0xcf: {  	s30 =	simm.s32 $0x2580;
	[sflag:s20] =	ssyncadd.s32 $0xFFFFC000  }
0xd0: {  	[tilespmem:s18], [sflag:$0x1] =	stream.indirect.gather [hbm4b:s1+s15], $0x80, s30, s15, $0xb8;
	[tilespmem:$0x1E800] =	vst v63  }
0xd1: {  	_ =	swait.ge [sflag:s17], $0x4000  }
0xd2: {  	[sflag:s17] =	ssyncset.done $0x0  }
0xd3: {  	[sflag:s17] =	ssyncadd.s32 $0xFFFFC000  }
0xd4: {  	[spmem:s3] =	stream.indirect.scatter.add.f32 [tilespmem:s18], [sflag:$0x2], $0x80, s23, s15, $0xb8;
	[tilespmem:$0x1E800] =	vst v63  }
0xd5: {  	_ =	swait.ge [sflag:s20], $0x4000  }
0xd6: {  	[sflag:s20] =	ssyncset.done $0x0  }
0xd7: {  	s11 =	simm.s32 $0x2600;
	[sflag:s20] =	ssyncadd.s32 $0xFFFFC000  }
0xd8: {  	[tilespmem:s16], [sflag:$0x1] =	stream.indirect.gather [hbm4b:s1+s15], $0x80, s11, s15, $0xb8;
	[tilespmem:$0x1E800] =	vst v63  }
0xd9: {  	_ =	swait.ge [sflag:s17], $0x4000  }
0xda: {  	[sflag:s17] =	ssyncset.done $0x0  }
0xdb: {  	[sflag:s17] =	ssyncadd.s32 $0xFFFFC000  }
0xdc: {  	[spmem:s3] =	stream.indirect.scatter.add.f32 [tilespmem:s16], [sflag:$0x2], $0x80, s24, s15, $0xb8;
	[tilespmem:$0x1E800] =	vst v63  }
0xdd: {  	_ =	swait.ge [sflag:s20], $0x4000  }
0xde: {  	[sflag:s20] =	ssyncset.done $0x0  }
0xdf: {  	s29 =	simm.s32 $0x2680;
	[sflag:s20] =	ssyncadd.s32 $0xFFFFC000  }
0xe0: {  	[tilespmem:s18], [sflag:$0x1] =	stream.indirect.gather [hbm4b:s1+s15], $0x80, s29, s15, $0xb8;
	[tilespmem:$0x1E800] =	vst v63  }
0xe1: {  	_ =	swait.ge [sflag:s17], $0x4000  }
0xe2: {  	[sflag:s17] =	ssyncset.done $0x0  }
0xe3: {  	[sflag:s17] =	ssyncadd.s32 $0xFFFFC000  }
0xe4: {  	[spmem:s3] =	stream.indirect.scatter.add.f32 [tilespmem:s18], [sflag:$0x2], $0x80, s25, s15, $0xb8;
	[tilespmem:$0x1E800] =	vst v63  }
0xe5: {  	_ =	swait.ge [sflag:s20], $0x4000  }
0xe6: {  	[sflag:s20] =	ssyncset.done $0x0  }
0xe7: {  	s30 =	simm.s32 $0x2700;
	[sflag:s20] =	ssyncadd.s32 $0xFFFFC000  }
0xe8: {  	[tilespmem:s16], [sflag:$0x1] =	stream.indirect.gather [hbm4b:s1+s15], $0x80, s30, s15, $0xb8;
	[tilespmem:$0x1E800] =	vst v63  }
0xe9: {  	_ =	swait.ge [sflag:s17], $0x4000  }
0xea: {  	[sflag:s17] =	ssyncset.done $0x0  }
0xeb: {  	[sflag:s17] =	ssyncadd.s32 $0xFFFFC000  }
0xec: {  	[spmem:s3] =	stream.indirect.scatter.add.f32 [tilespmem:s16], [sflag:$0x2], $0x80, s26, s15, $0xb8;
	[tilespmem:$0x1E800] =	vst v63  }
0xed: {  	_ =	swait.ge [sflag:s20], $0x4000  }
0xee: {  	s31 =	sadd.s32 $0x1, s31;
	[sflag:s20] =	ssyncset.done $0x0  }
0xef: {  	p0 =	sne.s32 s31, s10;
	[sflag:s20] =	ssyncadd.s32 $0xFFFFC000  }
.Ltmp1:
0xf0: {  	[bflag:$0x0] =	sbarrier.arrive $0xFFFF;
	(pc) =	sbr.rel @p0 .LBB2_1-.Ltmp1, $4  }
0xf1: {  	[hbm:s9], [sflag:s6] =	dma.local [spmem:s12], $0x2780  }
0xf2: {  	_ =	swait.ge [sflag:s13], $0x2780  }
0xf3: {  	[sflag:s13] =	ssyncset.done $0x0  }
0xf4: {  	[sflag:s13] =	ssyncadd.s32 $0xFFFFD880  }
0xf5: {  	_ =	sfence.sel $0x180000  }
0xf6: {  	[bflag:$0x0] =	sbarrier.arrive $0xFFFF  }
0xf7: {  	_ =	strace $0x9000004A  }
0xf8: {  	s0 =	stileid.u32;
	[bflag:$0x2] =	sbarrier.arrive $0xFFFF  }
0xf9: {  	p0 =	sne.s32 s0, $0x0;
	s0 =	rddreg [dreg:$0x3]  }
0xfa: {  	s0 =	sadd.s32 @!p0 $0x100000, s0  }
0xfb: {  	[sflag:s0] =	ssyncadd.tile.s32 @!p0 $0x1;
	_ =	shalt  }
.Lfunc_end2:
_tile_overlayer_lowered:
.L_overlay_start_2:
0xfc: {  	(tag) =	ssettag $0x2  }
0xfd: {  	s0 =	rddreg [dreg:$0x0];
	s2 =	stileid.u32  }
0xfe: {  	s1 =	rddreg [dreg:$0x1];
	p0 =	sne.s32 s2, $0x0  }
0xff: {  	s3 =	rddreg [dreg:$0x2];
	[bflag:$0x3] =	sbarrier.arrive $0xFFFF;
	s2 =	simm.s32 @!p0 $0x1C04  }
0x100: {  	[timem:s3], [sflag:s2] =	dma.local @!p0 [hbm:s0], s1  }
0x101: {  	s0 =	simm.s32 @!p0 $0x4  }
0x102: {  	_ =	swait.ge @!p0 [sflag:s0], s1  }
0x103: {  	s1 =	ssub.s32 @!p0 $0x0, s1;
	[sflag:s0] =	ssyncset.done @!p0 $0x0  }
0x104: {  	[sflag:s0] =	ssyncadd.s32 @!p0 s1  }
0x105: {  	[bflag:$0x3] =	sbarrier.arrive $0xFFFF  }
0x106: {  	_ =	shalt  }

// kernel: kernel.7.cloned.1.call-start
scs
__scs_entry_jumppad:
0x0: {  	(pc) =	sbr.rel $0x88, $3  }
0x1: {  	(tag) =	ssettag $0x0;
	lr =	simm.s32 $0x1  }
0x2: {  	[smem:$0x3F9B] =	sst lr;
	_ =	strace $0xD0000000  }
0x3: {  	_ = 	snop  }
0x4: {  	_ = 	snop  }
0x5: {  	_ = 	snop  }
0x6: {  	_ = 	snop  }
0x7: {  	_ = 	snop  }
__scs_overlays_trampoline_lowered:
0x8: {  	[smem:$0x3FAA] =	sst s0  }
0x9: {  	[smem:$0x3FAB] =	sst s1  }
0xa: {  	[smem:$0x3FAC] =	sst s2  }
0xb: {  	[smem:$0x3FAD] =	sst s3  }
0xc: {  	[smem:$0x3FAE] =	sst s4  }
0xd: {  	[smem:$0x3FAF] =	sst s5  }
0xe: {  	[smem:$0x3FB0] =	sst s6  }
0xf: {  	[smem:$0x3FB1] =	sst s7  }
0x10: {  	[smem:$0x3FB2] =	sst s8  }
0x11: {  	[smem:$0x3FB3] =	sst s9;
	s0 =	simm.s32 @!p0 $0x0  }
0x12: {  	s1 =	sld [smem:$0x3F99];
	s0 =	simm.s32 @p0 $0x1  }
0x13: {  	[smem:$0x3FB4] =	sst s0;
	s0 =	simm.s32 @!p1 $0x0  }
0x14: {  	s2 =	sld [smem:$0x3F98];
	s0 =	simm.s32 @p1 $0x1  }
0x15: {  	[smem:$0x3FB5] =	sst s0;
	s0 =	simm.s32 @!p2 $0x0  }
0x16: {  	s3 =	sld [smem:$0x3FDB];
	s0 =	simm.s32 @p2 $0x1  }
0x17: {  	s4 =	simm.s32 $0x1BF5;
	[smem:$0x3FB7] =	sst s0  }
0x18: {  	s0 =	sld [smem:$0x3F9A];
	_ =	swait.ge [sflag:s4], $0x0  }
0x19: {  	s7 =	sld [smem:$0x3F9B]  }
0x1a: {  	s8 =	sadd.s32 $0xFFFFE003, lr  }
0x1b: {  	s9 =	sadd.s32 $0xFFFFFEF7, lr;
	s5 =	simm.s32 $0xFFFFFFFF;
	p2 =	slt.u32 s8, $0xFFFFF086  }
0x1c: {  	p1 =	slt.u32 s9, $0xF7A;
	s5 =	simm.s32 @!p2 $0x0  }
0x1d: {  	s5 =	simm.s32 @p1 $0x1;
	p0 =	seq.s32 s7, s2  }
0x1e: {  	s7 =	smul.u32 @!p0 $0xF7A, s2;
	p2 =	seq.s32 @!p0 s5, $0x0  }
0x1f: {  	s9 =	smul.u32 $0xF7A, s1;
	s8 =	simm.s32 @!p0 $0x1BF5;
	p2 =	por !p2, p0  }
0x20: {  	[sflag:s8] =	ssyncset.s32 @!p0 $0xFFFFF086;
	s6 =	sadd.s32 @!p0 s3, s7;
	s7 =	simm.s32 @!p0 $0x108  }
0x21: {  	s3 =	sadd.s32 s3, s9;
	s6 =	sadd.s32 @!p0 $0x88, s6;
	s7 =	simm.s32 @p2 $0x1082  }
0x22: {  	[simem:s7], [sflag:s8] =	dma.local @!p0 [hbm:s6], $0xF7A  }
0x23: {  	s9 =	sor.u32 $0xD0000000, s2;
	s6 =	simm.s32 $0x108;
	_ =	swait.ge @!p0 [sflag:s8], $0x0  }
0x24: {  	s3 =	sadd.s32 $0x88, s3;
	s6 =	simm.s32 @!p1 $0x1082;
	[sflag:s4] =	ssyncset.s32 $0xFFFFF086  }
0x25: {  	[simem:s6], [sflag:s4] =	dma.local [hbm:s3], $0xF7A  }
0x26: {  	[smem:$0x3F9B] =	sst s1;
	(tag) =	ssettag s2;
	_ =	strace s9  }
0x27: {  	s1 =	sld [smem:$0x3FAB]  }
0x28: {  	s2 =	sld [smem:$0x3FAC]  }
0x29: {  	s4 =	sld [smem:$0x3FAE]  }
0x2a: {  	p0 =	seq.s32 s5, $0x0;
	s5 =	sld [smem:$0x3FAF]  }
0x2b: {  	s6 =	sld [smem:$0x3FB0]  }
0x2c: {  	s7 =	sld [smem:$0x3FB1]  }
0x2d: {  	s3 =	simm.s32 $0x108;
	s8 =	sld [smem:$0x3FB2]  }
0x2e: {  	s3 =	simm.s32 @!p0 $0x1082;
	s9 =	sld [smem:$0x3FB3]  }
0x2f: {  	lr =	sadd.s32 s0, s3;
	s0 =	sld [smem:$0x3FAA]  }
0x30: {  	s3 =	sld [smem:$0x3FAD]  }
0x31: {  	[smem:$0x3FB6] =	sst s10  }
0x32: {  	s10 =	sld [smem:$0x3FB4];
	_ =	sdelay $0x3  }
0x33: {  	p0 =	seq.s32 s10, $0x1;
	s10 =	sld [smem:$0x3FB6];
	_ =	sdelay $0x3  }
0x34: {  	[smem:$0x3FB6] =	sst s10  }
0x35: {  	s10 =	sld [smem:$0x3FB5];
	_ =	sdelay $0x3  }
0x36: {  	p1 =	seq.s32 s10, $0x1;
	s10 =	sld [smem:$0x3FB6];
	_ =	sdelay $0x3  }
0x37: {  	[smem:$0x3FB6] =	sst s10  }
0x38: {  	s10 =	sld [smem:$0x3FB7]  }
0x39: {  	_ = 	snop;
	(pc) =	sbr.ind lr, $3  }
0x3a: {  	_ = 	snop  }
0x3b: {  	_ = 	snop  }
0x3c: {  	p2 =	seq.s32 s10, $0x1;
	s10 =	sld [smem:$0x3FB6]  }
0x3d: {  	_ =	shalt  }
0x3e: {  	_ =	shalt  }
0x3f: {  	_ =	shalt  }
0x40: {  	_ =	shalt  }
0x41: {  	_ =	shalt  }
0x42: {  	_ =	shalt  }
0x43: {  	_ =	shalt  }
0x44: {  	_ =	shalt  }
0x45: {  	_ =	shalt  }
0x46: {  	_ =	shalt  }
0x47: {  	_ =	shalt  }
0x48: {  	_ =	shalt  }
0x49: {  	_ =	shalt  }
0x4a: {  	_ =	shalt  }
0x4b: {  	_ =	shalt  }
0x4c: {  	_ =	shalt  }
0x4d: {  	_ =	shalt  }
0x4e: {  	_ =	shalt  }
0x4f: {  	_ =	shalt  }
0x50: {  	_ =	shalt  }
0x51: {  	_ =	shalt  }
0x52: {  	_ =	shalt  }
0x53: {  	_ =	shalt  }
0x54: {  	_ =	shalt  }
0x55: {  	_ =	shalt  }
0x56: {  	_ =	shalt  }
0x57: {  	_ =	shalt  }
0x58: {  	_ =	shalt  }
0x59: {  	_ =	shalt  }
0x5a: {  	_ =	shalt  }
0x5b: {  	_ =	shalt  }
0x5c: {  	_ =	shalt  }
0x5d: {  	_ =	shalt  }
0x5e: {  	_ =	shalt  }
0x5f: {  	_ =	shalt  }
0x60: {  	_ =	shalt  }
0x61: {  	_ =	shalt  }
0x62: {  	_ =	shalt  }
0x63: {  	_ =	shalt  }
0x64: {  	_ =	shalt  }
0x65: {  	_ =	shalt  }
0x66: {  	_ =	shalt  }
0x67: {  	_ =	shalt  }
0x68: {  	_ =	shalt  }
0x69: {  	_ =	shalt  }
0x6a: {  	_ =	shalt  }
0x6b: {  	_ =	shalt  }
0x6c: {  	_ =	shalt  }
0x6d: {  	_ =	shalt  }
0x6e: {  	_ =	shalt  }
0x6f: {  	_ =	shalt  }
0x70: {  	_ =	shalt  }
0x71: {  	_ =	shalt  }
0x72: {  	_ =	shalt  }
0x73: {  	_ =	shalt  }
0x74: {  	_ =	shalt  }
0x75: {  	_ =	shalt  }
0x76: {  	_ =	shalt  }
0x77: {  	_ =	shalt  }
0x78: {  	_ =	shalt  }
0x79: {  	_ =	shalt  }
0x7a: {  	_ =	shalt  }
0x7b: {  	_ =	shalt  }
0x7c: {  	_ =	shalt  }
0x7d: {  	_ =	shalt  }
0x7e: {  	_ =	shalt  }
0x7f: {  	_ =	shalt  }
0x80: {  	_ =	shalt  }
0x81: {  	_ =	shalt  }
0x82: {  	_ =	shalt  }
0x83: {  	_ =	shalt  }
0x84: {  	_ =	shalt  }
0x85: {  	_ =	shalt  }
0x86: {  	_ =	shalt  }
0x87: {  	_ =	shalt  }
.Lfunc_end0:
.L_simem_size_0:
called_computation_lowered:
.L_overlay_start_0:
0x88: {  	s2 =	sld [smem:$0x3FD9]  }
0x89: {  	s3 =	sld [smem:$0x3FFE];
	_ =	sdelay $0x1  }
0x8a: {  	s1 =	srdreg.scid  }
0x8b: {  	s0 =	sand.u32 $0x1, s1  }
0x8c: {  	s17 =	sshll.u32 s0, $0xA;
	s2 =	sadd.s32 s3, s2  }
0x8d: {  	s2 =	sadd.s32 s2, s17  }
0x8e: {  	[smem:$0x3FC2] =	sst s2  }
0x8f: {  	_ = 	snop  }
0x90: {  	s2 =	sld [smem:$0x3FD0];
	(tm) =	ssettm $0x1  }
0x91: {  	s18 =	sld [smem:$0x3FFB];
	_ =	sdelay $0x3  }
0x92: {  	_ =	strace s18  }
0x93: {  	s3 =	sld [smem:$0x3FFC];
	_ =	sdelay $0x3  }
0x94: {  	_ =	strace s3  }
0x95: {  	s3 =	sld [smem:$0x3FFD];
	_ =	sdelay $0x3  }
0x96: {  	_ =	strace s3  }
0x97: {  	_ =	strace $0x8FFFFFFF  }
0x98: {  	s19 =	sld [smem:$0x3FDB];
	_ =	sdelay $0x1  }
0x99: {  	s4 =	simm.s32 $_scs_section_size  }
0x9a: {  	s5 =	simm.s32 $_size__tile_overlayer_lowered;
	s6 =	simm.s32 $_tile_overlayer_lowered  }
0x9b: {  	s22 =	simm.s32 $0x1BFF;
	s21 =	sshll.u32 s6, $0x1;
	s3 =	sadd.s32 s4, s19  }
0x9c: {  	s7 =	simm.s32 $0x0;
	s20 =	sshll.u32 s5, $0x1;
	s5 =	sadd.s32 s21, s3  }
0x9d: {  	[timem:s7], [sflag:s22] =	dma.local [hbm:s5], s20  }
0x9e: {  	_ =	swait.ge [sflag:s22], s20  }
0x9f: {  	s4 =	ssub.s32 $0x0, s20;
	[sflag:s22] =	ssyncset.done $0x0  }
0xa0: {  	[sflag:s22] =	ssyncadd.s32 s4;
	_ =	sdelay $0x1  }
0xa1: {  	s23 =	simm.s32 $0x1B8B  }
0xa2: {  	_ =	swait.ge [sflag:s23], $0x1  }
0xa3: {  	[sflag:s23] =	ssyncset.done $0x0  }
0xa4: {  	s25 =	simm.s32 $0x1B8E;
	s24 =	sld [smem:$0x3FFE];
	[sflag:s23] =	ssyncadd.s32 $0xFFFFFFFF  }
0xa5: {  	s26 =	simm.s32 $execute0_lowered;
	[smem:$0x3FD2] =	sst s25  }
0xa6: {  	s5 =	sshll.u32 s26, $0x1;
	_ =	strace $0x80000046;
	[dreg:$0x1] =	wrdreg $0xFFFFFFFF  }
0xa7: {  	s28 =	simm.s32 $_size_execute0_lowered;
	s3 =	sadd.s32 s3, s5;
	[dreg:$0x0] =	wrdreg $0x0  }
0xa8: {  	s5 =	sshll.u32 s28, $0x1;
	[dreg:$0x2] =	wrdreg s3  }
0xa9: {  	[dreg:$0x3] =	wrdreg s5  }
0xaa: {  	[dreg:$0x4] =	wrdreg $0xC0  }
0xab: {  	_ =	task [dreg:s7], $0x5FFFF  }
0xac: {  	[dreg:$0x1] =	wrdreg $0xFFFFFFFF  }
0xad: {  	[dreg:$0x0] =	wrdreg $0x60  }
0xae: {  	[dreg:$0x2] =	wrdreg s24  }
0xaf: {  	[dreg:$0x3] =	wrdreg s2  }
0xb0: {  	[dreg:$0x4] =	wrdreg $0x68000  }
0xb1: {  	[dreg:$0x5] =	wrdreg $0x9  }
0xb2: {  	_ =	task.clear_ibuf [dreg:s7], $0x6FFFF;
	_ =	strace $0x90000046  }
0xb3: {  	s29 =	simm.s32 $0x9;
	_ =	strace $0x80000048  }
0xb4: {  	_ =	swait.ge [sflag:s29], $0x1  }
0xb5: {  	[sflag:s29] =	ssyncadd.s32 $0xFFFFFFFF  }
0xb6: {  	_ =	strace $0x90000048  }
0xb7: {  	_ =	sfence  }
0xb8: {  	s30 =	sld [smem:$0x0];
	_ =	sdelay $0x2  }
0xb9: {  	s31 =	sshll.u32 s1, $0xD;
	s1 =	sshrl.u32 s1, $0x2  }
0xba: {  	s3 =	sand.u32 $0x4000, s31;
	s1 =	sadd.s32 s1, s30  }
0xbb: {  	s0 =	sor.u32 s3, s0;
	s1 =	sshll.u32 s1, $0x11  }
0xbc: {  	s0 =	sor.u32 s1, s0  }
0xbd: {  	s0 =	sadd.s32 $0x8F2B, s0  }
0xbe: {  	[sflag:s0] =	ssyncadd.remote.s32 $0x1  }
0xbf: {  	_ =	sfence.sel $0xFFFF  }
0xc0: {  	[dreg:$0x0] =	wrdreg $0xFFFFFFFF;
	(pc) =	sbr.abs _section_cstart, $3  }
0xc1: {  	[dreg:$0x1] =	wrdreg $0xFFFFFFFF  }
0xc2: {  	_ =	task.clear_ibuf [dreg:s7], $0x2FFFF;
	_ =	strace $0x9FFFFFFF  }
0xc3: {  	(tm) =	ssettm $0x7FFFFFFF  }
tec
execute0_lowered:
.L_overlay_start_1:
0x0: {  	(tag) =	ssettag $0x1  }
0x1: {  	s6 =	rddreg [dreg:$0x0]  }
0x2: {  	s0 =	srdreg.scid;
	s2 =	rddreg [dreg:$0x1]  }
0x3: {  	s3 =	rddreg [dreg:$0x2];
	s4 =	simm.s32 $0x0;
	s13 =	simm.s32 $0x80  }
0x4: {  	s14 =	simm.s32 $0x1;
	s5 =	sand.u32 $0x1, s0;
	s0 =	stileid.u32  }
0x5: {  	s15 =	simm.s32 $0x0;
	[smem:$0x7FF] =	sst s4;
	s8 =	smul.u32 $0x13C00, s0  }
0x6: {  	s1 =	sshll.u32 s5, $0x4;
	s9 =	smul.u32 $0x13C000, s5;
	s5 =	ssub.s32 $0x2, s5  }
0x7: {  	s28 =	smul.u32 $0x4F000, s0;
	s31 =	sshll.u32 s0, $0x6;
	s1 =	sor.u32 s0, s1  }
0x8: {  	s29 =	sshrl.u32 s5, $0x1;
	s7 =	smul.u32 $0x500, s1;
	s1 =	rddreg [dreg:$0x3]  }
0x9: {  	_ =	strace $0x80000047;
	s10 =	sshrl.u32 s8, $0x3;
	s8 =	sadd.s32 s8, s9  }
0xa: {  	s11 =	ssub.s32 s5, s29;
	s30 =	sshrl.u32 s28, $0x2;
	s8 =	sshrl.u32 s8, $0x3  }
0xb: {  	s10 =	sadd.s32 s10, s6;
	s12 =	sadd.s32 s30, s3;
	s9 =	smax.u32 s11, $0x1  }
0xc: {  	s11 =	simm.s32 $0x2;
	s7 =	sadd.s32 s7, s6;
	s8 =	sadd.s32 s8, s6  }
0xd: {  	s5 =	sadd.s32 $0xB800, s10;
	s6 =	sor.u32 $0x1C02, s31;
	s10 =	sshrl.u32 s12, $0x3  }
0xe: {  	s12 =	simm.s32 $0x2800;
	s7 =	sadd.s32 $0x1800, s7;
	s8 =	sadd.s32 $0x33000, s8  }
.LBB2_1:
0xf: {  	[spmem:s10], [sflag:s6] =	dma.local [hbm:s5], $0x2780  }
0x10: {  	_ =	swait.ge [sflag:s11], $0x2780  }
0x11: {  	[sflag:s11] =	ssyncset.done $0x0  }
0x12: {  	[sflag:s11] =	ssyncadd.s32 $0xFFFFD880  }
0x13: {  	[tilespmem:s12], [sflag:$0x2] =	stream.linear.gather [hbm4b:s2+s4], $0x4000, $0x38;
	[tilespmem:$0x1A400] =	vst v63  }
0x14: {  	_ =	swait.ge [sflag:s11], $0x4000  }
0x15: {  	[sflag:s11] =	ssyncset.done $0x0  }
0x16: {  	[sflag:s11] =	ssyncadd.s32 $0xFFFFC000  }
0x17: {  	[tilespmem:s4], [sflag:$0x2] =	stream.linear.gather [hbm4b:s7+s4], $0x2780, $0x38;
	[tilespmem:$0x1A400] =	vst v63  }
0x18: {  	_ =	swait.ge [sflag:s11], $0x2780  }
0x19: {  	[sflag:s11] =	ssyncset.done $0x0  }
0x1a: {  	[sflag:s11] =	ssyncadd.s32 $0xFFFFD880  }
0x1b: {  	s16 =	simm.s32 $0x0;
	[bflag:$0x0] =	sbarrier.arrive $0xFFFF  }
.LBB2_2:
0x1c: {  	p0 =	sne.s32 s16, $0x9C00  }
.Ltmp0:
0x1d: {  	_ = 	snop;
	(pc) =	sbr.rel @p0 .LBB2_2-.Ltmp0, $3  }
0x1e: {  	_ =	sdelay $0x1  }
0x1f: {  	s17 =	sshra.s32 s16, $0x2;
	s16 =	sadd.s32 $0x200, s16  }
0x20: {  	[spmem:s3] =	stream.indirect.scatter.add.f32 [tilespmem:s12], [sflag:$0x1], $0x80, s17, s13, $0xb8;
	[tilespmem:$0x1A400] =	vst v63  }
0x21: {  	_ =	swait.ge [sflag:s14], $0x4000  }
0x22: {  	s16 =	simm.s32 $0x4E;
	[sflag:s14] =	ssyncset.done $0x0  }
.LBB2_4:
0x23: {  	p0 =	sne.s32 s16, $0x1;
	s16 =	sadd.s32 $0xFFFFFFFF, s16;
	[sflag:s14] =	ssyncadd.s32 $0xFFFFC000  }
.Ltmp1:
0x24: {  	(pc) =	sbr.rel @p0 .LBB2_4-.Ltmp1, $3  }
0x25: {  	_ =	sdelay $0x1  }
0x26: {  	_ =	swait.ge [sflag:s14], $0x4000  }
0x27: {  	[sflag:s14] =	ssyncset.done $0x0  }
0x28: {  	s15 =	sadd.s32 $0x1, s15  }
0x29: {  	[sflag:s14] =	ssyncadd.s32 $0xFFFFC000;
	p0 =	sne.s32 s15, s9  }
.Ltmp2:
0x2a: {  	[bflag:$0x0] =	sbarrier.arrive $0xFFFF;
	(pc) =	sbr.rel @p0 .LBB2_1-.Ltmp2, $4  }
0x2b: {  	[hbm:s8], [sflag:s6] =	dma.local [spmem:s10], $0x2780  }
0x2c: {  	_ =	swait.ge [sflag:s11], $0x2780  }
0x2d: {  	[sflag:s11] =	ssyncset.done $0x0  }
0x2e: {  	[sflag:s11] =	ssyncadd.s32 $0xFFFFD880  }
0x2f: {  	_ =	sfence.sel $0x180000  }
0x30: {  	[bflag:$0x0] =	sbarrier.arrive $0xFFFF  }
0x31: {  	p0 =	sne.s32 s0, $0x0;
	_ =	strace $0x90000047  }
0x32: {  	s0 =	sadd.s32 @!p0 $0x100000, s1;
	[bflag:$0x2] =	sbarrier.arrive $0xFFFF  }
0x33: {  	[sflag:s0] =	ssyncadd.tile.s32 @!p0 $0x1;
	_ =	shalt  }
.Lfunc_end2:
_tile_overlayer_lowered:
.L_overlay_start_2:
0x34: {  	(tag) =	ssettag $0x2  }
0x35: {  	s0 =	rddreg [dreg:$0x0];
	s2 =	stileid.u32  }
0x36: {  	s1 =	rddreg [dreg:$0x1];
	p0 =	sne.s32 s2, $0x0  }
0x37: {  	s3 =	rddreg [dreg:$0x2];
	[bflag:$0x3] =	sbarrier.arrive $0xFFFF;
	s2 =	simm.s32 @!p0 $0x1C02  }
0x38: {  	[timem:s3], [sflag:s2] =	dma.local @!p0 [hbm:s0], s1  }
0x39: {  	s0 =	simm.s32 @!p0 $0x2  }
0x3a: {  	_ =	swait.ge @!p0 [sflag:s0], s1  }
0x3b: {  	s1 =	ssub.s32 @!p0 $0x0, s1;
	[sflag:s0] =	ssyncset.done @!p0 $0x0  }
0x3c: {  	[sflag:s0] =	ssyncadd.s32 @!p0 s1  }
0x3d: {  	[bflag:$0x3] =	sbarrier.arrive $0xFFFF  }
0x3e: {  	_ =	shalt  }

</sc_bundles>
